<compile_context>
chip_gen: v7x
topology: tpu7x:2x2x1
jax: 0.10.2.dev20260603
libtpu: 0.0.44.dev20260713+nightly
codegen_flags: <defaults>
</compile_context>

<pallas_src>
import jax
import jax.numpy as jnp
from jax import lax
from jax.experimental import pallas as pl
from jax.experimental.pallas import tpu as pltpu
from jax.experimental.pallas import tpu_sc as plsc

B = 16384
F = 26
V = 100000
D = 32
XC = 4096
NCK = B // XC


def _body(xt_hbm, tt_hbm, out_hbm, trow_v, x_c, out_c, tsem, xsem, osem):
    cid = lax.axis_index("c")
    sid = lax.axis_index("s")
    d = sid * 2 + cid

    def x_copy(f, c, b):
        return pltpu.make_async_copy(
            xt_hbm.at[f, pl.ds(c * XC, XC)], x_c.at[b], xsem.at[b]
        )

    def o_copy(f, c, b):
        return pltpu.make_async_copy(
            out_c.at[b], out_hbm.at[f * D + d, pl.ds(c * XC, XC)], osem.at[b]
        )

    def per_f(f, carry):
        pltpu.make_async_copy(tt_hbm.at[f, d], trow_v, tsem).wait()

        for c in range(NCK):
            b = c % 2
            x_copy(f, c, b).wait()
            if c + 1 < NCK:
                x_copy(f, c + 1, 1 - b).start()
            else:

                @pl.when(f + 1 < F)
                def _():
                    x_copy(f + 1, 0, 0).start()

            if c >= 2:
                o_copy(f, c - 2, b).wait()
            else:

                @pl.when(f > 0)
                def _():
                    o_copy(f, c, b).wait()

            @plsc.parallel_loop(0, XC, step=16, unroll=16)
            def _gather(s):
                idx = x_c[b, pl.ds(s, 16)]
                out_c[b, pl.ds(s, 16)] = plsc.load_gather(trow_v, [idx])

            o_copy(f, c, b).start()

        @pl.when(f + 1 < F)
        def _():
            pltpu.make_async_copy(tt_hbm.at[f + 1, d], trow_v, tsem).start()

        return carry

    x_copy(0, 0, 0).start()
    pltpu.make_async_copy(tt_hbm.at[0, d], trow_v, tsem).start()
    lax.fori_loop(0, F, per_f, 0)
    o_copy(0, 0, 0).wait()
    o_copy(0, 0, 1).wait()


@jax.jit
def kernel(x, tables):
    xt = x.T
    tt = tables.transpose(0, 2, 1)
    mesh = plsc.VectorSubcoreMesh(core_axis_name="c", subcore_axis_name="s")
    out = pl.kernel(
        _body,
        out_type=jax.ShapeDtypeStruct((F * D, B), jnp.float32),
        mesh=mesh,
        compiler_params=pltpu.CompilerParams(
            use_tc_tiling_on_sc=True, needs_layout_passes=False
        ),
        scratch_types=[
            pltpu.VMEM((V,), jnp.float32),
            pltpu.VMEM((2, XC), jnp.int32),
            pltpu.VMEM((2, XC), jnp.float32),
            pltpu.SemaphoreType.DMA,
            pltpu.SemaphoreType.DMA((2,)),
            pltpu.SemaphoreType.DMA((2,)),
        ],
    )(xt, tt)
    return out.T

# --- scband reference (transcript-rebuilt; emitter-appended) ---
"""Pipeline reference for scband-embedding-cluster-70059506532832 (READ-ONLY COPY).

The authoritative reference and input builder live on the scoring server;
editing this copy changes nothing except your own understanding.
"""

import jax, jax.numpy as jnp
import numpy as np

B = 16384
F = 26
V = 100000
D = 32


def setup_inputs(seed: int = 0) -> dict:
    key = jax.random.key(seed)
    k1, k2 = jax.random.split(key)
    x = jax.random.randint(k1, (B, F), 0, V, dtype=jnp.int32)
    # 26 embedding tables of shape [V, D], stacked: [F, V, D].
    # torch.nn.Embedding default init is N(0,1); padding_idx=0 row is zeroed.
    tables = jax.random.normal(k2, (F, V, D), dtype=jnp.float32)
    tables = tables.at[:, 0, :].set(0.0)
    return {"x": x, "tables": tables}


def reference(x, tables):
    # Faithful translation of EmbeddingCluster.rotate_embedding over all 26
    # features: out = cat([emb_i(x[:, i]) for i in range(F)], dim=1).
    F_ = tables.shape[0]
    # Gather: tables[i, x[:, i]] for each feature column -> [B, F, D]
    emb = tables[jnp.arange(F_)[None, :], x]
    # Concatenate along feature axis -> [B, F*D]
    return emb.reshape(x.shape[0], F_ * tables.shape[2])

if __name__ == "__main__":
    import jax
    _d = setup_inputs()
    print(jax.jit(kernel)(*tuple(_d.values())))

</pallas_src>

<mosaic_0001>
#map = affine_map<(d0, d1) -> (0, 0)>
#map1 = affine_map<(d0, d1) -> (0, 0, 0)>
module attributes {stable_mosaic.version = 14 : i64} {
  func.func @_body(%arg0: i32, %arg1: i32, %arg2: memref<26x16384xi32, #tpu.memory_space<hbm>>, %arg3: memref<26x32x100000xf32, #tpu.memory_space<hbm>>, %arg4: memref<832x16384xf32, #tpu.memory_space<hbm>>, %arg5: memref<100000xf32, #tpu.memory_space<vmem>>, %arg6: memref<2x4096xi32, #tpu.memory_space<vmem>>, %arg7: memref<2x4096xf32, #tpu.memory_space<vmem>>, %arg8: memref<!tpu.dma_semaphore, #tpu.memory_space<semaphore_mem>>, %arg9: memref<2x!tpu.dma_semaphore, #tpu.memory_space<semaphore_mem>>, %arg10: memref<2x!tpu.dma_semaphore, #tpu.memory_space<semaphore_mem>>) attributes {dimension_semantics = [#tpu.dimension_semantics<core_parallel>, #tpu.dimension_semantics<subcore_parallel>], iteration_bounds = array<i64: 2, 16>, scalar_prefetch = 0 : i64, scratch_operands = 6 : i64, tpu.core_type = #tpu.core_type<sc_vector_subcore>, window_params = [{transform_indices = #map}, {transform_indices = #map1}, {transform_indices = #map}]} {
    %mul3A = arith.constant 2 : i32
    %mul3A_0 = arith.muli %arg1, %mul3A : i32
    %add3A = arith.addi %mul3A_0, %arg0 : i32
    %dma_start3A = arith.constant 0 : i32
    %dma_start3A_1 = arith.constant 0 : i32
    %dma_start3A_2 = arith.constant 0 : i32
    %dma_start3A_3 = arith.constant 0 : i32
    %dma_start3A_4 = tpu.memref_slice %arg6[%dma_start3A_1, %dma_start3A_3] : memref<2x4096xi32, #tpu.memory_space<vmem>> -> memref<1x4096xi32, #tpu.memory_space<vmem>>
    %dma_start3A_5 = tpu.memref_squeeze %dma_start3A_4 : memref<1x4096xi32, #tpu.memory_space<vmem>> -> memref<4096xi32, #tpu.memory_space<vmem>>
    %dma_start3A_6 = arith.constant 0 : i32
    %dma_start3A_7 = tpu.memref_slice %arg2[%dma_start3A, %dma_start3A_6] : memref<26x16384xi32, #tpu.memory_space<hbm>> -> memref<1x4096xi32, #tpu.memory_space<hbm>>
    %dma_start3A_8 = tpu.memref_squeeze %dma_start3A_7 : memref<1x4096xi32, #tpu.memory_space<hbm>> -> memref<4096xi32, #tpu.memory_space<hbm>>
    %dma_start3A_9 = tpu.memref_slice %arg9[%dma_start3A_2] : memref<2x!tpu.dma_semaphore, #tpu.memory_space<semaphore_mem>> -> memref<1x!tpu.dma_semaphore, #tpu.memory_space<semaphore_mem>>
    %dma_start3A_10 = tpu.memref_squeeze %dma_start3A_9 : memref<1x!tpu.dma_semaphore, #tpu.memory_space<semaphore_mem>> -> memref<!tpu.dma_semaphore, #tpu.memory_space<semaphore_mem>>
    %dma_start3A_11 = arith.constant 0 : i32
    %dma_start3A_12 = tpu.memref_slice %arg6[%dma_start3A_1, %dma_start3A_11] : memref<2x4096xi32, #tpu.memory_space<vmem>> -> memref<1x4096xi32, #tpu.memory_space<vmem>>
    %dma_start3A_13 = tpu.memref_squeeze %dma_start3A_12 : memref<1x4096xi32, #tpu.memory_space<vmem>> -> memref<4096xi32, #tpu.memory_space<vmem>>
    %dma_start3A_14 = arith.constant 0 : i32
    %dma_start3A_15 = tpu.memref_slice %arg2[%dma_start3A, %dma_start3A_14] : memref<26x16384xi32, #tpu.memory_space<hbm>> -> memref<1x4096xi32, #tpu.memory_space<hbm>>
    %dma_start3A_16 = tpu.memref_squeeze %dma_start3A_15 : memref<1x4096xi32, #tpu.memory_space<hbm>> -> memref<4096xi32, #tpu.memory_space<hbm>>
    tpu.enqueue_dma source(%dma_start3A_16 : memref<4096xi32, #tpu.memory_space<hbm>>) target(%dma_start3A_13 : memref<4096xi32, #tpu.memory_space<vmem>>) target_semaphore(%dma_start3A_10 : memref<!tpu.dma_semaphore, #tpu.memory_space<semaphore_mem>>)
    %dma_start3A_17 = arith.constant 0 : i32
    %dma_start3A_18 = arith.constant 0 : i32
    %dma_start3A_19 = tpu.memref_slice %arg3[%dma_start3A_17, %add3A, %dma_start3A_18] : memref<26x32x100000xf32, #tpu.memory_space<hbm>> -> memref<1x1x100000xf32, #tpu.memory_space<hbm>>
    %dma_start3A_20 = tpu.memref_squeeze %dma_start3A_19 : memref<1x1x100000xf32, #tpu.memory_space<hbm>> -> memref<100000xf32, #tpu.memory_space<hbm>>
    %dma_start3A_21 = arith.constant 0 : i32
    %dma_start3A_22 = tpu.memref_slice %arg3[%dma_start3A_17, %add3A, %dma_start3A_21] : memref<26x32x100000xf32, #tpu.memory_space<hbm>> -> memref<1x1x100000xf32, #tpu.memory_space<hbm>>
    %dma_start3A_23 = tpu.memref_squeeze %dma_start3A_22 : memref<1x1x100000xf32, #tpu.memory_space<hbm>> -> memref<100000xf32, #tpu.memory_space<hbm>>
    tpu.enqueue_dma source(%dma_start3A_23 : memref<100000xf32, #tpu.memory_space<hbm>>) target(%arg5 : memref<100000xf32, #tpu.memory_space<vmem>>) target_semaphore(%arg8 : memref<!tpu.dma_semaphore, #tpu.memory_space<semaphore_mem>>)
    %scan3A = arith.constant 0 : i32
    %scan3A_24 = arith.constant 0 : i32
    %scan3A_25 = arith.constant 26 : i32
    %scan3A_26 = arith.addi %scan3A_24, %scan3A_25 : i32
    %scan3A_27 = arith.constant 1 : i32
    scf.for %scan3A_64 = %scan3A_24 to %scan3A_26 step %scan3A_27  : i32 {
      %dma_wait3A_65 = arith.constant 0 : i32
      %dma_wait3A_66 = tpu.memref_slice %arg3[%scan3A_64, %add3A, %dma_wait3A_65] : memref<26x32x100000xf32, #tpu.memory_space<hbm>> -> memref<1x1x100000xf32, #tpu.memory_space<hbm>>
      %dma_wait3A_67 = tpu.memref_squeeze %dma_wait3A_66 : memref<1x1x100000xf32, #tpu.memory_space<hbm>> -> memref<100000xf32, #tpu.memory_space<hbm>>
      %dma_wait3A_68 = arith.constant 0 : i32
      %dma_wait3A_69 = tpu.memref_slice %arg3[%scan3A_64, %add3A, %dma_wait3A_68] : memref<26x32x100000xf32, #tpu.memory_space<hbm>> -> memref<1x1x100000xf32, #tpu.memory_space<hbm>>
      %dma_wait3A_70 = tpu.memref_squeeze %dma_wait3A_69 : memref<1x1x100000xf32, #tpu.memory_space<hbm>> -> memref<100000xf32, #tpu.memory_space<hbm>>
      tpu.wait_dma2 semaphore(%arg8 : memref<!tpu.dma_semaphore, #tpu.memory_space<semaphore_mem>>) src(%dma_wait3A_70 : memref<100000xf32, #tpu.memory_space<hbm>>) dst(%arg5 : memref<100000xf32, #tpu.memory_space<vmem>>)
      %dma_wait3A_71 = arith.constant 0 : i32
      %dma_wait3A_72 = arith.constant 0 : i32
      %dma_wait3A_73 = arith.constant 0 : i32
      %dma_wait3A_74 = tpu.memref_slice %arg6[%dma_wait3A_71, %dma_wait3A_73] : memref<2x4096xi32, #tpu.memory_space<vmem>> -> memref<1x4096xi32, #tpu.memory_space<vmem>>
      %dma_wait3A_75 = tpu.memref_squeeze %dma_wait3A_74 : memref<1x4096xi32, #tpu.memory_space<vmem>> -> memref<4096xi32, #tpu.memory_space<vmem>>
      %dma_wait3A_76 = arith.constant 0 : i32
      %dma_wait3A_77 = tpu.memref_slice %arg2[%scan3A_64, %dma_wait3A_76] : memref<26x16384xi32, #tpu.memory_space<hbm>> -> memref<1x4096xi32, #tpu.memory_space<hbm>>
      %dma_wait3A_78 = tpu.memref_squeeze %dma_wait3A_77 : memref<1x4096xi32, #tpu.memory_space<hbm>> -> memref<4096xi32, #tpu.memory_space<hbm>>
      %dma_wait3A_79 = tpu.memref_slice %arg9[%dma_wait3A_72] : memref<2x!tpu.dma_semaphore, #tpu.memory_space<semaphore_mem>> -> memref<1x!tpu.dma_semaphore, #tpu.memory_space<semaphore_mem>>
      %dma_wait3A_80 = tpu.memref_squeeze %dma_wait3A_79 : memref<1x!tpu.dma_semaphore, #tpu.memory_space<semaphore_mem>> -> memref<!tpu.dma_semaphore, #tpu.memory_space<semaphore_mem>>
      %dma_wait3A_81 = arith.constant 0 : i32
      %dma_wait3A_82 = tpu.memref_slice %arg6[%dma_wait3A_71, %dma_wait3A_81] : memref<2x4096xi32, #tpu.memory_space<vmem>> -> memref<1x4096xi32, #tpu.memory_space<vmem>>
      %dma_wait3A_83 = tpu.memref_squeeze %dma_wait3A_82 : memref<1x4096xi32, #tpu.memory_space<vmem>> -> memref<4096xi32, #tpu.memory_space<vmem>>
      %dma_wait3A_84 = arith.constant 0 : i32
      %dma_wait3A_85 = tpu.memref_slice %arg2[%scan3A_64, %dma_wait3A_84] : memref<26x16384xi32, #tpu.memory_space<hbm>> -> memref<1x4096xi32, #tpu.memory_space<hbm>>
      %dma_wait3A_86 = tpu.memref_squeeze %dma_wait3A_85 : memref<1x4096xi32, #tpu.memory_space<hbm>> -> memref<4096xi32, #tpu.memory_space<hbm>>
      tpu.wait_dma2 semaphore(%dma_wait3A_80 : memref<!tpu.dma_semaphore, #tpu.memory_space<semaphore_mem>>) src(%dma_wait3A_86 : memref<4096xi32, #tpu.memory_space<hbm>>) dst(%dma_wait3A_83 : memref<4096xi32, #tpu.memory_space<vmem>>)
      %dma_start3A_87 = arith.constant 1 : i32
      %dma_start3A_88 = arith.constant 1 : i32
      %dma_start3A_89 = arith.constant 0 : i32
      %dma_start3A_90 = tpu.memref_slice %arg6[%dma_start3A_87, %dma_start3A_89] : memref<2x4096xi32, #tpu.memory_space<vmem>> -> memref<1x4096xi32, #tpu.memory_space<vmem>>
      %dma_start3A_91 = tpu.memref_squeeze %dma_start3A_90 : memref<1x4096xi32, #tpu.memory_space<vmem>> -> memref<4096xi32, #tpu.memory_space<vmem>>
      %dma_start3A_92 = arith.constant 4096 : i32
      %dma_start3A_93 = tpu.memref_slice %arg2[%scan3A_64, %dma_start3A_92] : memref<26x16384xi32, #tpu.memory_space<hbm>> -> memref<1x4096xi32, #tpu.memory_space<hbm>>
      %dma_start3A_94 = tpu.memref_squeeze %dma_start3A_93 : memref<1x4096xi32, #tpu.memory_space<hbm>> -> memref<4096xi32, #tpu.memory_space<hbm>>
      %dma_start3A_95 = tpu.memref_slice %arg9[%dma_start3A_88] : memref<2x!tpu.dma_semaphore, #tpu.memory_space<semaphore_mem>> -> memref<1x!tpu.dma_semaphore, #tpu.memory_space<semaphore_mem>>
      %dma_start3A_96 = tpu.memref_squeeze %dma_start3A_95 : memref<1x!tpu.dma_semaphore, #tpu.memory_space<semaphore_mem>> -> memref<!tpu.dma_semaphore, #tpu.memory_space<semaphore_mem>>
      %dma_start3A_97 = arith.constant 0 : i32
      %dma_start3A_98 = tpu.memref_slice %arg6[%dma_start3A_87, %dma_start3A_97] : memref<2x4096xi32, #tpu.memory_space<vmem>> -> memref<1x4096xi32, #tpu.memory_space<vmem>>
      %dma_start3A_99 = tpu.memref_squeeze %dma_start3A_98 : memref<1x4096xi32, #tpu.memory_space<vmem>> -> memref<4096xi32, #tpu.memory_space<vmem>>
      %dma_start3A_100 = arith.constant 4096 : i32
      %dma_start3A_101 = tpu.memref_slice %arg2[%scan3A_64, %dma_start3A_100] : memref<26x16384xi32, #tpu.memory_space<hbm>> -> memref<1x4096xi32, #tpu.memory_space<hbm>>
      %dma_start3A_102 = tpu.memref_squeeze %dma_start3A_101 : memref<1x4096xi32, #tpu.memory_space<hbm>> -> memref<4096xi32, #tpu.memory_space<hbm>>
      tpu.enqueue_dma source(%dma_start3A_102 : memref<4096xi32, #tpu.memory_space<hbm>>) target(%dma_start3A_99 : memref<4096xi32, #tpu.memory_space<vmem>>) target_semaphore(%dma_start3A_96 : memref<!tpu.dma_semaphore, #tpu.memory_space<semaphore_mem>>)
      %gt3A = arith.constant 0 : i32
      %gt3A_103 = arith.cmpi sgt, %scan3A_64, %gt3A : i32
      %convert_element_type3A = arith.extui %gt3A_103 : i1 to i32
      %cond3A = arith.constant 0 : i32
      %cond3A_104 = arith.cmpi ne, %convert_element_type3A, %cond3A : i32
      scf.if %cond3A_104 {
        %mul3A_328 = arith.constant 32 : i32
        %mul3A_329 = arith.muli %scan3A_64, %mul3A_328 : i32
        %add3A_330 = arith.addi %mul3A_329, %add3A : i32
        %dma_wait3A_331 = arith.constant 0 : i32
        %dma_wait3A_332 = arith.constant 0 : i32
        %dma_wait3A_333 = arith.constant 0 : i32
        %dma_wait3A_334 = tpu.memref_slice %arg7[%dma_wait3A_331, %dma_wait3A_333] : memref<2x4096xf32, #tpu.memory_space<vmem>> -> memref<1x4096xf32, #tpu.memory_space<vmem>>
        %dma_wait3A_335 = tpu.memref_squeeze %dma_wait3A_334 : memref<1x4096xf32, #tpu.memory_space<vmem>> -> memref<4096xf32, #tpu.memory_space<vmem>>
        %dma_wait3A_336 = arith.constant 0 : i32
        %dma_wait3A_337 = tpu.memref_slice %arg4[%add3A_330, %dma_wait3A_336] : memref<832x16384xf32, #tpu.memory_space<hbm>> -> memref<1x4096xf32, #tpu.memory_space<hbm>>
        %dma_wait3A_338 = tpu.memref_squeeze %dma_wait3A_337 : memref<1x4096xf32, #tpu.memory_space<hbm>> -> memref<4096xf32, #tpu.memory_space<hbm>>
        %dma_wait3A_339 = tpu.memref_slice %arg10[%dma_wait3A_332] : memref<2x!tpu.dma_semaphore, #tpu.memory_space<semaphore_mem>> -> memref<1x!tpu.dma_semaphore, #tpu.memory_space<semaphore_mem>>
        %dma_wait3A_340 = tpu.memref_squeeze %dma_wait3A_339 : memref<1x!tpu.dma_semaphore, #tpu.memory_space<semaphore_mem>> -> memref<!tpu.dma_semaphore, #tpu.memory_space<semaphore_mem>>
        %dma_wait3A_341 = arith.constant 0 : i32
        %dma_wait3A_342 = tpu.memref_slice %arg4[%add3A_330, %dma_wait3A_341] : memref<832x16384xf32, #tpu.memory_space<hbm>> -> memref<1x4096xf32, #tpu.memory_space<hbm>>
        %dma_wait3A_343 = tpu.memref_squeeze %dma_wait3A_342 : memref<1x4096xf32, #tpu.memory_space<hbm>> -> memref<4096xf32, #tpu.memory_space<hbm>>
        %dma_wait3A_344 = arith.constant 0 : i32
        %dma_wait3A_345 = tpu.memref_slice %arg7[%dma_wait3A_331, %dma_wait3A_344] : memref<2x4096xf32, #tpu.memory_space<vmem>> -> memref<1x4096xf32, #tpu.memory_space<vmem>>
        %dma_wait3A_346 = tpu.memref_squeeze %dma_wait3A_345 : memref<1x4096xf32, #tpu.memory_space<vmem>> -> memref<4096xf32, #tpu.memory_space<vmem>>
        tpu.wait_dma2 semaphore(%dma_wait3A_340 : memref<!tpu.dma_semaphore, #tpu.memory_space<semaphore_mem>>) src(%dma_wait3A_346 : memref<4096xf32, #tpu.memory_space<vmem>>) dst(%dma_wait3A_343 : memref<4096xf32, #tpu.memory_space<hbm>>)
      } else {
      }
      %parallel_loop3A = arith.constant 0 : i32
      %parallel_loop3A_105 = arith.constant 4096 : i32
      %parallel_loop3A_106 = arith.constant 16 : i32
      scf.for %parallel_loop3A_328 = %parallel_loop3A to %parallel_loop3A_105 step %parallel_loop3A_106  : i32 {
        %parallel_loop3A_329 = arith.constant 0 : i32
        %parallel_loop3A_330 = arith.index_cast %parallel_loop3A_329 : i32 to index
        %parallel_loop3A_331 = arith.index_cast %parallel_loop3A_328 : i32 to index
        %parallel_loop3A_332 = tpu.vector_load %arg6[%parallel_loop3A_330, %parallel_loop3A_331] {strides = array<i32>} : memref<2x4096xi32, #tpu.memory_space<vmem>>, vector<16xi32>,
        %parallel_loop3A_333 = tpu.vector_load_idx %arg5[%parallel_loop3A_332] : memref<100000xf32, #tpu.memory_space<vmem>>[vector<16xi32>], vector<16xf32>,
        %parallel_loop3A_334 = arith.constant 0 : i32
        %parallel_loop3A_335 = arith.index_cast %parallel_loop3A_334 : i32 to index
        %parallel_loop3A_336 = arith.index_cast %parallel_loop3A_328 : i32 to index
        %parallel_loop3A_337 = tpu.vector_load %arg7[%parallel_loop3A_335, %parallel_loop3A_336] {strides = array<i32>} : memref<2x4096xf32, #tpu.memory_space<vmem>>, vector<16xf32>,
        tpu.vector_store %arg7[%parallel_loop3A_335, %parallel_loop3A_336], %parallel_loop3A_333 {strides = array<i32>} : memref<2x4096xf32, #tpu.memory_space<vmem>>, vector<16xf32>,
      } {sc.loop_unroll_factor = 16 : i64, sc.parallel_access}
      %mul3A_107 = arith.constant 32 : i32
      %mul3A_108 = arith.muli %scan3A_64, %mul3A_107 : i32
      %add3A_109 = arith.addi %mul3A_108, %add3A : i32
      %dma_start3A_110 = arith.constant 0 : i32
      %dma_start3A_111 = arith.constant 0 : i32
      %dma_start3A_112 = arith.constant 0 : i32
      %dma_start3A_113 = tpu.memref_slice %arg7[%dma_start3A_110, %dma_start3A_112] : memref<2x4096xf32, #tpu.memory_space<vmem>> -> memref<1x4096xf32, #tpu.memory_space<vmem>>
      %dma_start3A_114 = tpu.memref_squeeze %dma_start3A_113 : memref<1x4096xf32, #tpu.memory_space<vmem>> -> memref<4096xf32, #tpu.memory_space<vmem>>
      %dma_start3A_115 = arith.constant 0 : i32
      %dma_start3A_116 = tpu.memref_slice %arg4[%add3A_109, %dma_start3A_115] : memref<832x16384xf32, #tpu.memory_space<hbm>> -> memref<1x4096xf32, #tpu.memory_space<hbm>>
      %dma_start3A_117 = tpu.memref_squeeze %dma_start3A_116 : memref<1x4096xf32, #tpu.memory_space<hbm>> -> memref<4096xf32, #tpu.memory_space<hbm>>
      %dma_start3A_118 = tpu.memref_slice %arg10[%dma_start3A_111] : memref<2x!tpu.dma_semaphore, #tpu.memory_space<semaphore_mem>> -> memref<1x!tpu.dma_semaphore, #tpu.memory_space<semaphore_mem>>
      %dma_start3A_119 = tpu.memref_squeeze %dma_start3A_118 : memref<1x!tpu.dma_semaphore, #tpu.memory_space<semaphore_mem>> -> memref<!tpu.dma_semaphore, #tpu.memory_space<semaphore_mem>>
      %dma_start3A_120 = arith.constant 0 : i32
      %dma_start3A_121 = tpu.memref_slice %arg4[%add3A_109, %dma_start3A_120] : memref<832x16384xf32, #tpu.memory_space<hbm>> -> memref<1x4096xf32, #tpu.memory_space<hbm>>
      %dma_start3A_122 = tpu.memref_squeeze %dma_start3A_121 : memref<1x4096xf32, #tpu.memory_space<hbm>> -> memref<4096xf32, #tpu.memory_space<hbm>>
      %dma_start3A_123 = arith.constant 0 : i32
      %dma_start3A_124 = tpu.memref_slice %arg7[%dma_start3A_110, %dma_start3A_123] : memref<2x4096xf32, #tpu.memory_space<vmem>> -> memref<1x4096xf32, #tpu.memory_space<vmem>>
      %dma_start3A_125 = tpu.memref_squeeze %dma_start3A_124 : memref<1x4096xf32, #tpu.memory_space<vmem>> -> memref<4096xf32, #tpu.memory_space<vmem>>
      tpu.enqueue_dma source(%dma_start3A_125 : memref<4096xf32, #tpu.memory_space<vmem>>) target(%dma_start3A_122 : memref<4096xf32, #tpu.memory_space<hbm>>) target_semaphore(%dma_start3A_119 : memref<!tpu.dma_semaphore, #tpu.memory_space<semaphore_mem>>)
      %dma_wait3A_126 = arith.constant 1 : i32
      %dma_wait3A_127 = arith.constant 1 : i32
      %dma_wait3A_128 = arith.constant 0 : i32
      %dma_wait3A_129 = tpu.memref_slice %arg6[%dma_wait3A_126, %dma_wait3A_128] : memref<2x4096xi32, #tpu.memory_space<vmem>> -> memref<1x4096xi32, #tpu.memory_space<vmem>>
      %dma_wait3A_130 = tpu.memref_squeeze %dma_wait3A_129 : memref<1x4096xi32, #tpu.memory_space<vmem>> -> memref<4096xi32, #tpu.memory_space<vmem>>
      %dma_wait3A_131 = arith.constant 4096 : i32
      %dma_wait3A_132 = tpu.memref_slice %arg2[%scan3A_64, %dma_wait3A_131] : memref<26x16384xi32, #tpu.memory_space<hbm>> -> memref<1x4096xi32, #tpu.memory_space<hbm>>
      %dma_wait3A_133 = tpu.memref_squeeze %dma_wait3A_132 : memref<1x4096xi32, #tpu.memory_space<hbm>> -> memref<4096xi32, #tpu.memory_space<hbm>>
      %dma_wait3A_134 = tpu.memref_slice %arg9[%dma_wait3A_127] : memref<2x!tpu.dma_semaphore, #tpu.memory_space<semaphore_mem>> -> memref<1x!tpu.dma_semaphore, #tpu.memory_space<semaphore_mem>>
      %dma_wait3A_135 = tpu.memref_squeeze %dma_wait3A_134 : memref<1x!tpu.dma_semaphore, #tpu.memory_space<semaphore_mem>> -> memref<!tpu.dma_semaphore, #tpu.memory_space<semaphore_mem>>
      %dma_wait3A_136 = arith.constant 0 : i32
      %dma_wait3A_137 = tpu.memref_slice %arg6[%dma_wait3A_126, %dma_wait3A_136] : memref<2x4096xi32, #tpu.memory_space<vmem>> -> memref<1x4096xi32, #tpu.memory_space<vmem>>
      %dma_wait3A_138 = tpu.memref_squeeze %dma_wait3A_137 : memref<1x4096xi32, #tpu.memory_space<vmem>> -> memref<4096xi32, #tpu.memory_space<vmem>>
      %dma_wait3A_139 = arith.constant 4096 : i32
      %dma_wait3A_140 = tpu.memref_slice %arg2[%scan3A_64, %dma_wait3A_139] : memref<26x16384xi32, #tpu.memory_space<hbm>> -> memref<1x4096xi32, #tpu.memory_space<hbm>>
      %dma_wait3A_141 = tpu.memref_squeeze %dma_wait3A_140 : memref<1x4096xi32, #tpu.memory_space<hbm>> -> memref<4096xi32, #tpu.memory_space<hbm>>
      tpu.wait_dma2 semaphore(%dma_wait3A_135 : memref<!tpu.dma_semaphore, #tpu.memory_space<semaphore_mem>>) src(%dma_wait3A_141 : memref<4096xi32, #tpu.memory_space<hbm>>) dst(%dma_wait3A_138 : memref<4096xi32, #tpu.memory_space<vmem>>)
      %dma_start3A_142 = arith.constant 0 : i32
      %dma_start3A_143 = arith.constant 0 : i32
      %dma_start3A_144 = arith.constant 0 : i32
      %dma_start3A_145 = tpu.memref_slice %arg6[%dma_start3A_142, %dma_start3A_144] : memref<2x4096xi32, #tpu.memory_space<vmem>> -> memref<1x4096xi32, #tpu.memory_space<vmem>>
      %dma_start3A_146 = tpu.memref_squeeze %dma_start3A_145 : memref<1x4096xi32, #tpu.memory_space<vmem>> -> memref<4096xi32, #tpu.memory_space<vmem>>
      %dma_start3A_147 = arith.constant 8192 : i32
      %dma_start3A_148 = tpu.memref_slice %arg2[%scan3A_64, %dma_start3A_147] : memref<26x16384xi32, #tpu.memory_space<hbm>> -> memref<1x4096xi32, #tpu.memory_space<hbm>>
      %dma_start3A_149 = tpu.memref_squeeze %dma_start3A_148 : memref<1x4096xi32, #tpu.memory_space<hbm>> -> memref<4096xi32, #tpu.memory_space<hbm>>
      %dma_start3A_150 = tpu.memref_slice %arg9[%dma_start3A_143] : memref<2x!tpu.dma_semaphore, #tpu.memory_space<semaphore_mem>> -> memref<1x!tpu.dma_semaphore, #tpu.memory_space<semaphore_mem>>
      %dma_start3A_151 = tpu.memref_squeeze %dma_start3A_150 : memref<1x!tpu.dma_semaphore, #tpu.memory_space<semaphore_mem>> -> memref<!tpu.dma_semaphore, #tpu.memory_space<semaphore_mem>>
      %dma_start3A_152 = arith.constant 0 : i32
      %dma_start3A_153 = tpu.memref_slice %arg6[%dma_start3A_142, %dma_start3A_152] : memref<2x4096xi32, #tpu.memory_space<vmem>> -> memref<1x4096xi32, #tpu.memory_space<vmem>>
      %dma_start3A_154 = tpu.memref_squeeze %dma_start3A_153 : memref<1x4096xi32, #tpu.memory_space<vmem>> -> memref<4096xi32, #tpu.memory_space<vmem>>
      %dma_start3A_155 = arith.constant 8192 : i32
      %dma_start3A_156 = tpu.memref_slice %arg2[%scan3A_64, %dma_start3A_155] : memref<26x16384xi32, #tpu.memory_space<hbm>> -> memref<1x4096xi32, #tpu.memory_space<hbm>>
      %dma_start3A_157 = tpu.memref_squeeze %dma_start3A_156 : memref<1x4096xi32, #tpu.memory_space<hbm>> -> memref<4096xi32, #tpu.memory_space<hbm>>
      tpu.enqueue_dma source(%dma_start3A_157 : memref<4096xi32, #tpu.memory_space<hbm>>) target(%dma_start3A_154 : memref<4096xi32, #tpu.memory_space<vmem>>) target_semaphore(%dma_start3A_151 : memref<!tpu.dma_semaphore, #tpu.memory_space<semaphore_mem>>)
      %gt3A_158 = arith.constant 0 : i32
      %gt3A_159 = arith.cmpi sgt, %scan3A_64, %gt3A_158 : i32
      %convert_element_type3A_160 = arith.extui %gt3A_159 : i1 to i32
      %cond3A_161 = arith.constant 0 : i32
      %cond3A_162 = arith.cmpi ne, %convert_element_type3A_160, %cond3A_161 : i32
      scf.if %cond3A_162 {
        %mul3A_328 = arith.constant 32 : i32
        %mul3A_329 = arith.muli %scan3A_64, %mul3A_328 : i32
        %add3A_330 = arith.addi %mul3A_329, %add3A : i32
        %dma_wait3A_331 = arith.constant 1 : i32
        %dma_wait3A_332 = arith.constant 1 : i32
        %dma_wait3A_333 = arith.constant 0 : i32
        %dma_wait3A_334 = tpu.memref_slice %arg7[%dma_wait3A_331, %dma_wait3A_333] : memref<2x4096xf32, #tpu.memory_space<vmem>> -> memref<1x4096xf32, #tpu.memory_space<vmem>>
        %dma_wait3A_335 = tpu.memref_squeeze %dma_wait3A_334 : memref<1x4096xf32, #tpu.memory_space<vmem>> -> memref<4096xf32, #tpu.memory_space<vmem>>
        %dma_wait3A_336 = arith.constant 4096 : i32
        %dma_wait3A_337 = tpu.memref_slice %arg4[%add3A_330, %dma_wait3A_336] : memref<832x16384xf32, #tpu.memory_space<hbm>> -> memref<1x4096xf32, #tpu.memory_space<hbm>>
        %dma_wait3A_338 = tpu.memref_squeeze %dma_wait3A_337 : memref<1x4096xf32, #tpu.memory_space<hbm>> -> memref<4096xf32, #tpu.memory_space<hbm>>
        %dma_wait3A_339 = tpu.memref_slice %arg10[%dma_wait3A_332] : memref<2x!tpu.dma_semaphore, #tpu.memory_space<semaphore_mem>> -> memref<1x!tpu.dma_semaphore, #tpu.memory_space<semaphore_mem>>
        %dma_wait3A_340 = tpu.memref_squeeze %dma_wait3A_339 : memref<1x!tpu.dma_semaphore, #tpu.memory_space<semaphore_mem>> -> memref<!tpu.dma_semaphore, #tpu.memory_space<semaphore_mem>>
        %dma_wait3A_341 = arith.constant 4096 : i32
        %dma_wait3A_342 = tpu.memref_slice %arg4[%add3A_330, %dma_wait3A_341] : memref<832x16384xf32, #tpu.memory_space<hbm>> -> memref<1x4096xf32, #tpu.memory_space<hbm>>
        %dma_wait3A_343 = tpu.memref_squeeze %dma_wait3A_342 : memref<1x4096xf32, #tpu.memory_space<hbm>> -> memref<4096xf32, #tpu.memory_space<hbm>>
        %dma_wait3A_344 = arith.constant 0 : i32
        %dma_wait3A_345 = tpu.memref_slice %arg7[%dma_wait3A_331, %dma_wait3A_344] : memref<2x4096xf32, #tpu.memory_space<vmem>> -> memref<1x4096xf32, #tpu.memory_space<vmem>>
        %dma_wait3A_346 = tpu.memref_squeeze %dma_wait3A_345 : memref<1x4096xf32, #tpu.memory_space<vmem>> -> memref<4096xf32, #tpu.memory_space<vmem>>
        tpu.wait_dma2 semaphore(%dma_wait3A_340 : memref<!tpu.dma_semaphore, #tpu.memory_space<semaphore_mem>>) src(%dma_wait3A_346 : memref<4096xf32, #tpu.memory_space<vmem>>) dst(%dma_wait3A_343 : memref<4096xf32, #tpu.memory_space<hbm>>)
      } else {
      }
      %parallel_loop3A_163 = arith.constant 0 : i32
      %parallel_loop3A_164 = arith.constant 4096 : i32
      %parallel_loop3A_165 = arith.constant 16 : i32
      scf.for %parallel_loop3A_328 = %parallel_loop3A_163 to %parallel_loop3A_164 step %parallel_loop3A_165  : i32 {
        %parallel_loop3A_329 = arith.constant 1 : i32
        %parallel_loop3A_330 = arith.index_cast %parallel_loop3A_329 : i32 to index
        %parallel_loop3A_331 = arith.index_cast %parallel_loop3A_328 : i32 to index
        %parallel_loop3A_332 = tpu.vector_load %arg6[%parallel_loop3A_330, %parallel_loop3A_331] {strides = array<i32>} : memref<2x4096xi32, #tpu.memory_space<vmem>>, vector<16xi32>,
        %parallel_loop3A_333 = tpu.vector_load_idx %arg5[%parallel_loop3A_332] : memref<100000xf32, #tpu.memory_space<vmem>>[vector<16xi32>], vector<16xf32>,
        %parallel_loop3A_334 = arith.constant 1 : i32
        %parallel_loop3A_335 = arith.index_cast %parallel_loop3A_334 : i32 to index
        %parallel_loop3A_336 = arith.index_cast %parallel_loop3A_328 : i32 to index
        %parallel_loop3A_337 = tpu.vector_load %arg7[%parallel_loop3A_335, %parallel_loop3A_336] {strides = array<i32>} : memref<2x4096xf32, #tpu.memory_space<vmem>>, vector<16xf32>,
        tpu.vector_store %arg7[%parallel_loop3A_335, %parallel_loop3A_336], %parallel_loop3A_333 {strides = array<i32>} : memref<2x4096xf32, #tpu.memory_space<vmem>>, vector<16xf32>,
      } {sc.loop_unroll_factor = 16 : i64, sc.parallel_access}
      %mul3A_166 = arith.constant 32 : i32
      %mul3A_167 = arith.muli %scan3A_64, %mul3A_166 : i32
      %add3A_168 = arith.addi %mul3A_167, %add3A : i32
      %dma_start3A_169 = arith.constant 1 : i32
      %dma_start3A_170 = arith.constant 1 : i32
      %dma_start3A_171 = arith.constant 0 : i32
      %dma_start3A_172 = tpu.memref_slice %arg7[%dma_start3A_169, %dma_start3A_171] : memref<2x4096xf32, #tpu.memory_space<vmem>> -> memref<1x4096xf32, #tpu.memory_space<vmem>>
      %dma_start3A_173 = tpu.memref_squeeze %dma_start3A_172 : memref<1x4096xf32, #tpu.memory_space<vmem>> -> memref<4096xf32, #tpu.memory_space<vmem>>
      %dma_start3A_174 = arith.constant 4096 : i32
      %dma_start3A_175 = tpu.memref_slice %arg4[%add3A_168, %dma_start3A_174] : memref<832x16384xf32, #tpu.memory_space<hbm>> -> memref<1x4096xf32, #tpu.memory_space<hbm>>
      %dma_start3A_176 = tpu.memref_squeeze %dma_start3A_175 : memref<1x4096xf32, #tpu.memory_space<hbm>> -> memref<4096xf32, #tpu.memory_space<hbm>>
      %dma_start3A_177 = tpu.memref_slice %arg10[%dma_start3A_170] : memref<2x!tpu.dma_semaphore, #tpu.memory_space<semaphore_mem>> -> memref<1x!tpu.dma_semaphore, #tpu.memory_space<semaphore_mem>>
      %dma_start3A_178 = tpu.memref_squeeze %dma_start3A_177 : memref<1x!tpu.dma_semaphore, #tpu.memory_space<semaphore_mem>> -> memref<!tpu.dma_semaphore, #tpu.memory_space<semaphore_mem>>
      %dma_start3A_179 = arith.constant 4096 : i32
      %dma_start3A_180 = tpu.memref_slice %arg4[%add3A_168, %dma_start3A_179] : memref<832x16384xf32, #tpu.memory_space<hbm>> -> memref<1x4096xf32, #tpu.memory_space<hbm>>
      %dma_start3A_181 = tpu.memref_squeeze %dma_start3A_180 : memref<1x4096xf32, #tpu.memory_space<hbm>> -> memref<4096xf32, #tpu.memory_space<hbm>>
      %dma_start3A_182 = arith.constant 0 : i32
      %dma_start3A_183 = tpu.memref_slice %arg7[%dma_start3A_169, %dma_start3A_182] : memref<2x4096xf32, #tpu.memory_space<vmem>> -> memref<1x4096xf32, #tpu.memory_space<vmem>>
      %dma_start3A_184 = tpu.memref_squeeze %dma_start3A_183 : memref<1x4096xf32, #tpu.memory_space<vmem>> -> memref<4096xf32, #tpu.memory_space<vmem>>
      tpu.enqueue_dma source(%dma_start3A_184 : memref<4096xf32, #tpu.memory_space<vmem>>) target(%dma_start3A_181 : memref<4096xf32, #tpu.memory_space<hbm>>) target_semaphore(%dma_start3A_178 : memref<!tpu.dma_semaphore, #tpu.memory_space<semaphore_mem>>)
      %dma_wait3A_185 = arith.constant 0 : i32
      %dma_wait3A_186 = arith.constant 0 : i32
      %dma_wait3A_187 = arith.constant 0 : i32
      %dma_wait3A_188 = tpu.memref_slice %arg6[%dma_wait3A_185, %dma_wait3A_187] : memref<2x4096xi32, #tpu.memory_space<vmem>> -> memref<1x4096xi32, #tpu.memory_space<vmem>>
      %dma_wait3A_189 = tpu.memref_squeeze %dma_wait3A_188 : memref<1x4096xi32, #tpu.memory_space<vmem>> -> memref<4096xi32, #tpu.memory_space<vmem>>
      %dma_wait3A_190 = arith.constant 8192 : i32
      %dma_wait3A_191 = tpu.memref_slice %arg2[%scan3A_64, %dma_wait3A_190] : memref<26x16384xi32, #tpu.memory_space<hbm>> -> memref<1x4096xi32, #tpu.memory_space<hbm>>
      %dma_wait3A_192 = tpu.memref_squeeze %dma_wait3A_191 : memref<1x4096xi32, #tpu.memory_space<hbm>> -> memref<4096xi32, #tpu.memory_space<hbm>>
      %dma_wait3A_193 = tpu.memref_slice %arg9[%dma_wait3A_186] : memref<2x!tpu.dma_semaphore, #tpu.memory_space<semaphore_mem>> -> memref<1x!tpu.dma_semaphore, #tpu.memory_space<semaphore_mem>>
      %dma_wait3A_194 = tpu.memref_squeeze %dma_wait3A_193 : memref<1x!tpu.dma_semaphore, #tpu.memory_space<semaphore_mem>> -> memref<!tpu.dma_semaphore, #tpu.memory_space<semaphore_mem>>
      %dma_wait3A_195 = arith.constant 0 : i32
      %dma_wait3A_196 = tpu.memref_slice %arg6[%dma_wait3A_185, %dma_wait3A_195] : memref<2x4096xi32, #tpu.memory_space<vmem>> -> memref<1x4096xi32, #tpu.memory_space<vmem>>
      %dma_wait3A_197 = tpu.memref_squeeze %dma_wait3A_196 : memref<1x4096xi32, #tpu.memory_space<vmem>> -> memref<4096xi32, #tpu.memory_space<vmem>>
      %dma_wait3A_198 = arith.constant 8192 : i32
      %dma_wait3A_199 = tpu.memref_slice %arg2[%scan3A_64, %dma_wait3A_198] : memref<26x16384xi32, #tpu.memory_space<hbm>> -> memref<1x4096xi32, #tpu.memory_space<hbm>>
      %dma_wait3A_200 = tpu.memref_squeeze %dma_wait3A_199 : memref<1x4096xi32, #tpu.memory_space<hbm>> -> memref<4096xi32, #tpu.memory_space<hbm>>
      tpu.wait_dma2 semaphore(%dma_wait3A_194 : memref<!tpu.dma_semaphore, #tpu.memory_space<semaphore_mem>>) src(%dma_wait3A_200 : memref<4096xi32, #tpu.memory_space<hbm>>) dst(%dma_wait3A_197 : memref<4096xi32, #tpu.memory_space<vmem>>)
      %dma_start3A_201 = arith.constant 1 : i32
      %dma_start3A_202 = arith.constant 1 : i32
      %dma_start3A_203 = arith.constant 0 : i32
      %dma_start3A_204 = tpu.memref_slice %arg6[%dma_start3A_201, %dma_start3A_203] : memref<2x4096xi32, #tpu.memory_space<vmem>> -> memref<1x4096xi32, #tpu.memory_space<vmem>>
      %dma_start3A_205 = tpu.memref_squeeze %dma_start3A_204 : memref<1x4096xi32, #tpu.memory_space<vmem>> -> memref<4096xi32, #tpu.memory_space<vmem>>
      %dma_start3A_206 = arith.constant 12288 : i32
      %dma_start3A_207 = tpu.memref_slice %arg2[%scan3A_64, %dma_start3A_206] : memref<26x16384xi32, #tpu.memory_space<hbm>> -> memref<1x4096xi32, #tpu.memory_space<hbm>>
      %dma_start3A_208 = tpu.memref_squeeze %dma_start3A_207 : memref<1x4096xi32, #tpu.memory_space<hbm>> -> memref<4096xi32, #tpu.memory_space<hbm>>
      %dma_start3A_209 = tpu.memref_slice %arg9[%dma_start3A_202] : memref<2x!tpu.dma_semaphore, #tpu.memory_space<semaphore_mem>> -> memref<1x!tpu.dma_semaphore, #tpu.memory_space<semaphore_mem>>
      %dma_start3A_210 = tpu.memref_squeeze %dma_start3A_209 : memref<1x!tpu.dma_semaphore, #tpu.memory_space<semaphore_mem>> -> memref<!tpu.dma_semaphore, #tpu.memory_space<semaphore_mem>>
      %dma_start3A_211 = arith.constant 0 : i32
      %dma_start3A_212 = tpu.memref_slice %arg6[%dma_start3A_201, %dma_start3A_211] : memref<2x4096xi32, #tpu.memory_space<vmem>> -> memref<1x4096xi32, #tpu.memory_space<vmem>>
      %dma_start3A_213 = tpu.memref_squeeze %dma_start3A_212 : memref<1x4096xi32, #tpu.memory_space<vmem>> -> memref<4096xi32, #tpu.memory_space<vmem>>
      %dma_start3A_214 = arith.constant 12288 : i32
      %dma_start3A_215 = tpu.memref_slice %arg2[%scan3A_64, %dma_start3A_214] : memref<26x16384xi32, #tpu.memory_space<hbm>> -> memref<1x4096xi32, #tpu.memory_space<hbm>>
      %dma_start3A_216 = tpu.memref_squeeze %dma_start3A_215 : memref<1x4096xi32, #tpu.memory_space<hbm>> -> memref<4096xi32, #tpu.memory_space<hbm>>
      tpu.enqueue_dma source(%dma_start3A_216 : memref<4096xi32, #tpu.memory_space<hbm>>) target(%dma_start3A_213 : memref<4096xi32, #tpu.memory_space<vmem>>) target_semaphore(%dma_start3A_210 : memref<!tpu.dma_semaphore, #tpu.memory_space<semaphore_mem>>)
      %mul3A_217 = arith.constant 32 : i32
      %mul3A_218 = arith.muli %scan3A_64, %mul3A_217 : i32
      %add3A_219 = arith.addi %mul3A_218, %add3A : i32
      %dma_wait3A_220 = arith.constant 0 : i32
      %dma_wait3A_221 = arith.constant 0 : i32
      %dma_wait3A_222 = arith.constant 0 : i32
      %dma_wait3A_223 = tpu.memref_slice %arg7[%dma_wait3A_220, %dma_wait3A_222] : memref<2x4096xf32, #tpu.memory_space<vmem>> -> memref<1x4096xf32, #tpu.memory_space<vmem>>
      %dma_wait3A_224 = tpu.memref_squeeze %dma_wait3A_223 : memref<1x4096xf32, #tpu.memory_space<vmem>> -> memref<4096xf32, #tpu.memory_space<vmem>>
      %dma_wait3A_225 = arith.constant 0 : i32
      %dma_wait3A_226 = tpu.memref_slice %arg4[%add3A_219, %dma_wait3A_225] : memref<832x16384xf32, #tpu.memory_space<hbm>> -> memref<1x4096xf32, #tpu.memory_space<hbm>>
      %dma_wait3A_227 = tpu.memref_squeeze %dma_wait3A_226 : memref<1x4096xf32, #tpu.memory_space<hbm>> -> memref<4096xf32, #tpu.memory_space<hbm>>
      %dma_wait3A_228 = tpu.memref_slice %arg10[%dma_wait3A_221] : memref<2x!tpu.dma_semaphore, #tpu.memory_space<semaphore_mem>> -> memref<1x!tpu.dma_semaphore, #tpu.memory_space<semaphore_mem>>
      %dma_wait3A_229 = tpu.memref_squeeze %dma_wait3A_228 : memref<1x!tpu.dma_semaphore, #tpu.memory_space<semaphore_mem>> -> memref<!tpu.dma_semaphore, #tpu.memory_space<semaphore_mem>>
      %dma_wait3A_230 = arith.constant 0 : i32
      %dma_wait3A_231 = tpu.memref_slice %arg4[%add3A_219, %dma_wait3A_230] : memref<832x16384xf32, #tpu.memory_space<hbm>> -> memref<1x4096xf32, #tpu.memory_space<hbm>>
      %dma_wait3A_232 = tpu.memref_squeeze %dma_wait3A_231 : memref<1x4096xf32, #tpu.memory_space<hbm>> -> memref<4096xf32, #tpu.memory_space<hbm>>
      %dma_wait3A_233 = arith.constant 0 : i32
      %dma_wait3A_234 = tpu.memref_slice %arg7[%dma_wait3A_220, %dma_wait3A_233] : memref<2x4096xf32, #tpu.memory_space<vmem>> -> memref<1x4096xf32, #tpu.memory_space<vmem>>
      %dma_wait3A_235 = tpu.memref_squeeze %dma_wait3A_234 : memref<1x4096xf32, #tpu.memory_space<vmem>> -> memref<4096xf32, #tpu.memory_space<vmem>>
      tpu.wait_dma2 semaphore(%dma_wait3A_229 : memref<!tpu.dma_semaphore, #tpu.memory_space<semaphore_mem>>) src(%dma_wait3A_235 : memref<4096xf32, #tpu.memory_space<vmem>>) dst(%dma_wait3A_232 : memref<4096xf32, #tpu.memory_space<hbm>>)
      %parallel_loop3A_236 = arith.constant 0 : i32
      %parallel_loop3A_237 = arith.constant 4096 : i32
      %parallel_loop3A_238 = arith.constant 16 : i32
      scf.for %parallel_loop3A_328 = %parallel_loop3A_236 to %parallel_loop3A_237 step %parallel_loop3A_238  : i32 {
        %parallel_loop3A_329 = arith.constant 0 : i32
        %parallel_loop3A_330 = arith.index_cast %parallel_loop3A_329 : i32 to index
        %parallel_loop3A_331 = arith.index_cast %parallel_loop3A_328 : i32 to index
        %parallel_loop3A_332 = tpu.vector_load %arg6[%parallel_loop3A_330, %parallel_loop3A_331] {strides = array<i32>} : memref<2x4096xi32, #tpu.memory_space<vmem>>, vector<16xi32>,
        %parallel_loop3A_333 = tpu.vector_load_idx %arg5[%parallel_loop3A_332] : memref<100000xf32, #tpu.memory_space<vmem>>[vector<16xi32>], vector<16xf32>,
        %parallel_loop3A_334 = arith.constant 0 : i32
        %parallel_loop3A_335 = arith.index_cast %parallel_loop3A_334 : i32 to index
        %parallel_loop3A_336 = arith.index_cast %parallel_loop3A_328 : i32 to index
        %parallel_loop3A_337 = tpu.vector_load %arg7[%parallel_loop3A_335, %parallel_loop3A_336] {strides = array<i32>} : memref<2x4096xf32, #tpu.memory_space<vmem>>, vector<16xf32>,
        tpu.vector_store %arg7[%parallel_loop3A_335, %parallel_loop3A_336], %parallel_loop3A_333 {strides = array<i32>} : memref<2x4096xf32, #tpu.memory_space<vmem>>, vector<16xf32>,
      } {sc.loop_unroll_factor = 16 : i64, sc.parallel_access}
      %mul3A_239 = arith.constant 32 : i32
      %mul3A_240 = arith.muli %scan3A_64, %mul3A_239 : i32
      %add3A_241 = arith.addi %mul3A_240, %add3A : i32
      %dma_start3A_242 = arith.constant 0 : i32
      %dma_start3A_243 = arith.constant 0 : i32
      %dma_start3A_244 = arith.constant 0 : i32
      %dma_start3A_245 = tpu.memref_slice %arg7[%dma_start3A_242, %dma_start3A_244] : memref<2x4096xf32, #tpu.memory_space<vmem>> -> memref<1x4096xf32, #tpu.memory_space<vmem>>
      %dma_start3A_246 = tpu.memref_squeeze %dma_start3A_245 : memref<1x4096xf32, #tpu.memory_space<vmem>> -> memref<4096xf32, #tpu.memory_space<vmem>>
      %dma_start3A_247 = arith.constant 8192 : i32
      %dma_start3A_248 = tpu.memref_slice %arg4[%add3A_241, %dma_start3A_247] : memref<832x16384xf32, #tpu.memory_space<hbm>> -> memref<1x4096xf32, #tpu.memory_space<hbm>>
      %dma_start3A_249 = tpu.memref_squeeze %dma_start3A_248 : memref<1x4096xf32, #tpu.memory_space<hbm>> -> memref<4096xf32, #tpu.memory_space<hbm>>
      %dma_start3A_250 = tpu.memref_slice %arg10[%dma_start3A_243] : memref<2x!tpu.dma_semaphore, #tpu.memory_space<semaphore_mem>> -> memref<1x!tpu.dma_semaphore, #tpu.memory_space<semaphore_mem>>
      %dma_start3A_251 = tpu.memref_squeeze %dma_start3A_250 : memref<1x!tpu.dma_semaphore, #tpu.memory_space<semaphore_mem>> -> memref<!tpu.dma_semaphore, #tpu.memory_space<semaphore_mem>>
      %dma_start3A_252 = arith.constant 8192 : i32
      %dma_start3A_253 = tpu.memref_slice %arg4[%add3A_241, %dma_start3A_252] : memref<832x16384xf32, #tpu.memory_space<hbm>> -> memref<1x4096xf32, #tpu.memory_space<hbm>>
      %dma_start3A_254 = tpu.memref_squeeze %dma_start3A_253 : memref<1x4096xf32, #tpu.memory_space<hbm>> -> memref<4096xf32, #tpu.memory_space<hbm>>
      %dma_start3A_255 = arith.constant 0 : i32
      %dma_start3A_256 = tpu.memref_slice %arg7[%dma_start3A_242, %dma_start3A_255] : memref<2x4096xf32, #tpu.memory_space<vmem>> -> memref<1x4096xf32, #tpu.memory_space<vmem>>
      %dma_start3A_257 = tpu.memref_squeeze %dma_start3A_256 : memref<1x4096xf32, #tpu.memory_space<vmem>> -> memref<4096xf32, #tpu.memory_space<vmem>>
      tpu.enqueue_dma source(%dma_start3A_257 : memref<4096xf32, #tpu.memory_space<vmem>>) target(%dma_start3A_254 : memref<4096xf32, #tpu.memory_space<hbm>>) target_semaphore(%dma_start3A_251 : memref<!tpu.dma_semaphore, #tpu.memory_space<semaphore_mem>>)
      %dma_wait3A_258 = arith.constant 1 : i32
      %dma_wait3A_259 = arith.constant 1 : i32
      %dma_wait3A_260 = arith.constant 0 : i32
      %dma_wait3A_261 = tpu.memref_slice %arg6[%dma_wait3A_258, %dma_wait3A_260] : memref<2x4096xi32, #tpu.memory_space<vmem>> -> memref<1x4096xi32, #tpu.memory_space<vmem>>
      %dma_wait3A_262 = tpu.memref_squeeze %dma_wait3A_261 : memref<1x4096xi32, #tpu.memory_space<vmem>> -> memref<4096xi32, #tpu.memory_space<vmem>>
      %dma_wait3A_263 = arith.constant 12288 : i32
      %dma_wait3A_264 = tpu.memref_slice %arg2[%scan3A_64, %dma_wait3A_263] : memref<26x16384xi32, #tpu.memory_space<hbm>> -> memref<1x4096xi32, #tpu.memory_space<hbm>>
      %dma_wait3A_265 = tpu.memref_squeeze %dma_wait3A_264 : memref<1x4096xi32, #tpu.memory_space<hbm>> -> memref<4096xi32, #tpu.memory_space<hbm>>
      %dma_wait3A_266 = tpu.memref_slice %arg9[%dma_wait3A_259] : memref<2x!tpu.dma_semaphore, #tpu.memory_space<semaphore_mem>> -> memref<1x!tpu.dma_semaphore, #tpu.memory_space<semaphore_mem>>
      %dma_wait3A_267 = tpu.memref_squeeze %dma_wait3A_266 : memref<1x!tpu.dma_semaphore, #tpu.memory_space<semaphore_mem>> -> memref<!tpu.dma_semaphore, #tpu.memory_space<semaphore_mem>>
      %dma_wait3A_268 = arith.constant 0 : i32
      %dma_wait3A_269 = tpu.memref_slice %arg6[%dma_wait3A_258, %dma_wait3A_268] : memref<2x4096xi32, #tpu.memory_space<vmem>> -> memref<1x4096xi32, #tpu.memory_space<vmem>>
      %dma_wait3A_270 = tpu.memref_squeeze %dma_wait3A_269 : memref<1x4096xi32, #tpu.memory_space<vmem>> -> memref<4096xi32, #tpu.memory_space<vmem>>
      %dma_wait3A_271 = arith.constant 12288 : i32
      %dma_wait3A_272 = tpu.memref_slice %arg2[%scan3A_64, %dma_wait3A_271] : memref<26x16384xi32, #tpu.memory_space<hbm>> -> memref<1x4096xi32, #tpu.memory_space<hbm>>
      %dma_wait3A_273 = tpu.memref_squeeze %dma_wait3A_272 : memref<1x4096xi32, #tpu.memory_space<hbm>> -> memref<4096xi32, #tpu.memory_space<hbm>>
      tpu.wait_dma2 semaphore(%dma_wait3A_267 : memref<!tpu.dma_semaphore, #tpu.memory_space<semaphore_mem>>) src(%dma_wait3A_273 : memref<4096xi32, #tpu.memory_space<hbm>>) dst(%dma_wait3A_270 : memref<4096xi32, #tpu.memory_space<vmem>>)
      %add3A_274 = arith.constant 1 : i32
      %add3A_275 = arith.addi %scan3A_64, %add3A_274 : i32
      %lt3A = arith.constant 26 : i32
      %lt3A_276 = arith.cmpi slt, %add3A_275, %lt3A : i32
      %convert_element_type3A_277 = arith.extui %lt3A_276 : i1 to i32
      %cond3A_278 = arith.constant 0 : i32
      %cond3A_279 = arith.cmpi ne, %convert_element_type3A_277, %cond3A_278 : i32
      scf.if %cond3A_279 {
        %add3A_328 = arith.constant 1 : i32
        %add3A_329 = arith.addi %scan3A_64, %add3A_328 : i32
        %dma_start3A_330 = arith.constant 0 : i32
        %dma_start3A_331 = arith.constant 0 : i32
        %dma_start3A_332 = arith.constant 0 : i32
        %dma_start3A_333 = tpu.memref_slice %arg6[%dma_start3A_330, %dma_start3A_332] : memref<2x4096xi32, #tpu.memory_space<vmem>> -> memref<1x4096xi32, #tpu.memory_space<vmem>>
        %dma_start3A_334 = tpu.memref_squeeze %dma_start3A_333 : memref<1x4096xi32, #tpu.memory_space<vmem>> -> memref<4096xi32, #tpu.memory_space<vmem>>
        %dma_start3A_335 = arith.constant 0 : i32
        %dma_start3A_336 = tpu.memref_slice %arg2[%add3A_329, %dma_start3A_335] : memref<26x16384xi32, #tpu.memory_space<hbm>> -> memref<1x4096xi32, #tpu.memory_space<hbm>>
        %dma_start3A_337 = tpu.memref_squeeze %dma_start3A_336 : memref<1x4096xi32, #tpu.memory_space<hbm>> -> memref<4096xi32, #tpu.memory_space<hbm>>
        %dma_start3A_338 = tpu.memref_slice %arg9[%dma_start3A_331] : memref<2x!tpu.dma_semaphore, #tpu.memory_space<semaphore_mem>> -> memref<1x!tpu.dma_semaphore, #tpu.memory_space<semaphore_mem>>
        %dma_start3A_339 = tpu.memref_squeeze %dma_start3A_338 : memref<1x!tpu.dma_semaphore, #tpu.memory_space<semaphore_mem>> -> memref<!tpu.dma_semaphore, #tpu.memory_space<semaphore_mem>>
        %dma_start3A_340 = arith.constant 0 : i32
        %dma_start3A_341 = tpu.memref_slice %arg6[%dma_start3A_330, %dma_start3A_340] : memref<2x4096xi32, #tpu.memory_space<vmem>> -> memref<1x4096xi32, #tpu.memory_space<vmem>>
        %dma_start3A_342 = tpu.memref_squeeze %dma_start3A_341 : memref<1x4096xi32, #tpu.memory_space<vmem>> -> memref<4096xi32, #tpu.memory_space<vmem>>
        %dma_start3A_343 = arith.constant 0 : i32
        %dma_start3A_344 = tpu.memref_slice %arg2[%add3A_329, %dma_start3A_343] : memref<26x16384xi32, #tpu.memory_space<hbm>> -> memref<1x4096xi32, #tpu.memory_space<hbm>>
        %dma_start3A_345 = tpu.memref_squeeze %dma_start3A_344 : memref<1x4096xi32, #tpu.memory_space<hbm>> -> memref<4096xi32, #tpu.memory_space<hbm>>
        tpu.enqueue_dma source(%dma_start3A_345 : memref<4096xi32, #tpu.memory_space<hbm>>) target(%dma_start3A_342 : memref<4096xi32, #tpu.memory_space<vmem>>) target_semaphore(%dma_start3A_339 : memref<!tpu.dma_semaphore, #tpu.memory_space<semaphore_mem>>)
      } else {
      }
      %mul3A_280 = arith.constant 32 : i32
      %mul3A_281 = arith.muli %scan3A_64, %mul3A_280 : i32
      %add3A_282 = arith.addi %mul3A_281, %add3A : i32
      %dma_wait3A_283 = arith.constant 1 : i32
      %dma_wait3A_284 = arith.constant 1 : i32
      %dma_wait3A_285 = arith.constant 0 : i32
      %dma_wait3A_286 = tpu.memref_slice %arg7[%dma_wait3A_283, %dma_wait3A_285] : memref<2x4096xf32, #tpu.memory_space<vmem>> -> memref<1x4096xf32, #tpu.memory_space<vmem>>
      %dma_wait3A_287 = tpu.memref_squeeze %dma_wait3A_286 : memref<1x4096xf32, #tpu.memory_space<vmem>> -> memref<4096xf32, #tpu.memory_space<vmem>>
      %dma_wait3A_288 = arith.constant 4096 : i32
      %dma_wait3A_289 = tpu.memref_slice %arg4[%add3A_282, %dma_wait3A_288] : memref<832x16384xf32, #tpu.memory_space<hbm>> -> memref<1x4096xf32, #tpu.memory_space<hbm>>
      %dma_wait3A_290 = tpu.memref_squeeze %dma_wait3A_289 : memref<1x4096xf32, #tpu.memory_space<hbm>> -> memref<4096xf32, #tpu.memory_space<hbm>>
      %dma_wait3A_291 = tpu.memref_slice %arg10[%dma_wait3A_284] : memref<2x!tpu.dma_semaphore, #tpu.memory_space<semaphore_mem>> -> memref<1x!tpu.dma_semaphore, #tpu.memory_space<semaphore_mem>>
      %dma_wait3A_292 = tpu.memref_squeeze %dma_wait3A_291 : memref<1x!tpu.dma_semaphore, #tpu.memory_space<semaphore_mem>> -> memref<!tpu.dma_semaphore, #tpu.memory_space<semaphore_mem>>
      %dma_wait3A_293 = arith.constant 4096 : i32
      %dma_wait3A_294 = tpu.memref_slice %arg4[%add3A_282, %dma_wait3A_293] : memref<832x16384xf32, #tpu.memory_space<hbm>> -> memref<1x4096xf32, #tpu.memory_space<hbm>>
      %dma_wait3A_295 = tpu.memref_squeeze %dma_wait3A_294 : memref<1x4096xf32, #tpu.memory_space<hbm>> -> memref<4096xf32, #tpu.memory_space<hbm>>
      %dma_wait3A_296 = arith.constant 0 : i32
      %dma_wait3A_297 = tpu.memref_slice %arg7[%dma_wait3A_283, %dma_wait3A_296] : memref<2x4096xf32, #tpu.memory_space<vmem>> -> memref<1x4096xf32, #tpu.memory_space<vmem>>
      %dma_wait3A_298 = tpu.memref_squeeze %dma_wait3A_297 : memref<1x4096xf32, #tpu.memory_space<vmem>> -> memref<4096xf32, #tpu.memory_space<vmem>>
      tpu.wait_dma2 semaphore(%dma_wait3A_292 : memref<!tpu.dma_semaphore, #tpu.memory_space<semaphore_mem>>) src(%dma_wait3A_298 : memref<4096xf32, #tpu.memory_space<vmem>>) dst(%dma_wait3A_295 : memref<4096xf32, #tpu.memory_space<hbm>>)
      %parallel_loop3A_299 = arith.constant 0 : i32
      %parallel_loop3A_300 = arith.constant 4096 : i32
      %parallel_loop3A_301 = arith.constant 16 : i32
      scf.for %parallel_loop3A_328 = %parallel_loop3A_299 to %parallel_loop3A_300 step %parallel_loop3A_301  : i32 {
        %parallel_loop3A_329 = arith.constant 1 : i32
        %parallel_loop3A_330 = arith.index_cast %parallel_loop3A_329 : i32 to index
        %parallel_loop3A_331 = arith.index_cast %parallel_loop3A_328 : i32 to index
        %parallel_loop3A_332 = tpu.vector_load %arg6[%parallel_loop3A_330, %parallel_loop3A_331] {strides = array<i32>} : memref<2x4096xi32, #tpu.memory_space<vmem>>, vector<16xi32>,
        %parallel_loop3A_333 = tpu.vector_load_idx %arg5[%parallel_loop3A_332] : memref<100000xf32, #tpu.memory_space<vmem>>[vector<16xi32>], vector<16xf32>,
        %parallel_loop3A_334 = arith.constant 1 : i32
        %parallel_loop3A_335 = arith.index_cast %parallel_loop3A_334 : i32 to index
        %parallel_loop3A_336 = arith.index_cast %parallel_loop3A_328 : i32 to index
        %parallel_loop3A_337 = tpu.vector_load %arg7[%parallel_loop3A_335, %parallel_loop3A_336] {strides = array<i32>} : memref<2x4096xf32, #tpu.memory_space<vmem>>, vector<16xf32>,
        tpu.vector_store %arg7[%parallel_loop3A_335, %parallel_loop3A_336], %parallel_loop3A_333 {strides = array<i32>} : memref<2x4096xf32, #tpu.memory_space<vmem>>, vector<16xf32>,
      } {sc.loop_unroll_factor = 16 : i64, sc.parallel_access}
      %mul3A_302 = arith.constant 32 : i32
      %mul3A_303 = arith.muli %scan3A_64, %mul3A_302 : i32
      %add3A_304 = arith.addi %mul3A_303, %add3A : i32
      %dma_start3A_305 = arith.constant 1 : i32
      %dma_start3A_306 = arith.constant 1 : i32
      %dma_start3A_307 = arith.constant 0 : i32
      %dma_start3A_308 = tpu.memref_slice %arg7[%dma_start3A_305, %dma_start3A_307] : memref<2x4096xf32, #tpu.memory_space<vmem>> -> memref<1x4096xf32, #tpu.memory_space<vmem>>
      %dma_start3A_309 = tpu.memref_squeeze %dma_start3A_308 : memref<1x4096xf32, #tpu.memory_space<vmem>> -> memref<4096xf32, #tpu.memory_space<vmem>>
      %dma_start3A_310 = arith.constant 12288 : i32
      %dma_start3A_311 = tpu.memref_slice %arg4[%add3A_304, %dma_start3A_310] : memref<832x16384xf32, #tpu.memory_space<hbm>> -> memref<1x4096xf32, #tpu.memory_space<hbm>>
      %dma_start3A_312 = tpu.memref_squeeze %dma_start3A_311 : memref<1x4096xf32, #tpu.memory_space<hbm>> -> memref<4096xf32, #tpu.memory_space<hbm>>
      %dma_start3A_313 = tpu.memref_slice %arg10[%dma_start3A_306] : memref<2x!tpu.dma_semaphore, #tpu.memory_space<semaphore_mem>> -> memref<1x!tpu.dma_semaphore, #tpu.memory_space<semaphore_mem>>
      %dma_start3A_314 = tpu.memref_squeeze %dma_start3A_313 : memref<1x!tpu.dma_semaphore, #tpu.memory_space<semaphore_mem>> -> memref<!tpu.dma_semaphore, #tpu.memory_space<semaphore_mem>>
      %dma_start3A_315 = arith.constant 12288 : i32
      %dma_start3A_316 = tpu.memref_slice %arg4[%add3A_304, %dma_start3A_315] : memref<832x16384xf32, #tpu.memory_space<hbm>> -> memref<1x4096xf32, #tpu.memory_space<hbm>>
      %dma_start3A_317 = tpu.memref_squeeze %dma_start3A_316 : memref<1x4096xf32, #tpu.memory_space<hbm>> -> memref<4096xf32, #tpu.memory_space<hbm>>
      %dma_start3A_318 = arith.constant 0 : i32
      %dma_start3A_319 = tpu.memref_slice %arg7[%dma_start3A_305, %dma_start3A_318] : memref<2x4096xf32, #tpu.memory_space<vmem>> -> memref<1x4096xf32, #tpu.memory_space<vmem>>
      %dma_start3A_320 = tpu.memref_squeeze %dma_start3A_319 : memref<1x4096xf32, #tpu.memory_space<vmem>> -> memref<4096xf32, #tpu.memory_space<vmem>>
      tpu.enqueue_dma source(%dma_start3A_320 : memref<4096xf32, #tpu.memory_space<vmem>>) target(%dma_start3A_317 : memref<4096xf32, #tpu.memory_space<hbm>>) target_semaphore(%dma_start3A_314 : memref<!tpu.dma_semaphore, #tpu.memory_space<semaphore_mem>>)
      %add3A_321 = arith.constant 1 : i32
      %add3A_322 = arith.addi %scan3A_64, %add3A_321 : i32
      %lt3A_323 = arith.constant 26 : i32
      %lt3A_324 = arith.cmpi slt, %add3A_322, %lt3A_323 : i32
      %convert_element_type3A_325 = arith.extui %lt3A_324 : i1 to i32
      %cond3A_326 = arith.constant 0 : i32
      %cond3A_327 = arith.cmpi ne, %convert_element_type3A_325, %cond3A_326 : i32
      scf.if %cond3A_327 {
        %add3A_328 = arith.constant 1 : i32
        %add3A_329 = arith.addi %scan3A_64, %add3A_328 : i32
        %dma_start3A_330 = arith.constant 0 : i32
        %dma_start3A_331 = tpu.memref_slice %arg3[%add3A_329, %add3A, %dma_start3A_330] : memref<26x32x100000xf32, #tpu.memory_space<hbm>> -> memref<1x1x100000xf32, #tpu.memory_space<hbm>>
        %dma_start3A_332 = tpu.memref_squeeze %dma_start3A_331 : memref<1x1x100000xf32, #tpu.memory_space<hbm>> -> memref<100000xf32, #tpu.memory_space<hbm>>
        %dma_start3A_333 = arith.constant 0 : i32
        %dma_start3A_334 = tpu.memref_slice %arg3[%add3A_329, %add3A, %dma_start3A_333] : memref<26x32x100000xf32, #tpu.memory_space<hbm>> -> memref<1x1x100000xf32, #tpu.memory_space<hbm>>
        %dma_start3A_335 = tpu.memref_squeeze %dma_start3A_334 : memref<1x1x100000xf32, #tpu.memory_space<hbm>> -> memref<100000xf32, #tpu.memory_space<hbm>>
        tpu.enqueue_dma source(%dma_start3A_335 : memref<100000xf32, #tpu.memory_space<hbm>>) target(%arg5 : memref<100000xf32, #tpu.memory_space<vmem>>) target_semaphore(%arg8 : memref<!tpu.dma_semaphore, #tpu.memory_space<semaphore_mem>>)
      } else {
      }
    }
    %scan3A_28 = arith.constant 26 : i32
    %add3A_29 = arith.constant 0 : i32
    %add3A_30 = arith.addi %add3A_29, %add3A : i32
    %dma_wait3A = arith.constant 0 : i32
    %dma_wait3A_31 = arith.constant 0 : i32
    %dma_wait3A_32 = arith.constant 0 : i32
    %dma_wait3A_33 = tpu.memref_slice %arg7[%dma_wait3A, %dma_wait3A_32] : memref<2x4096xf32, #tpu.memory_space<vmem>> -> memref<1x4096xf32, #tpu.memory_space<vmem>>
    %dma_wait3A_34 = tpu.memref_squeeze %dma_wait3A_33 : memref<1x4096xf32, #tpu.memory_space<vmem>> -> memref<4096xf32, #tpu.memory_space<vmem>>
    %dma_wait3A_35 = arith.constant 0 : i32
    %dma_wait3A_36 = tpu.memref_slice %arg4[%add3A_30, %dma_wait3A_35] : memref<832x16384xf32, #tpu.memory_space<hbm>> -> memref<1x4096xf32, #tpu.memory_space<hbm>>
    %dma_wait3A_37 = tpu.memref_squeeze %dma_wait3A_36 : memref<1x4096xf32, #tpu.memory_space<hbm>> -> memref<4096xf32, #tpu.memory_space<hbm>>
    %dma_wait3A_38 = tpu.memref_slice %arg10[%dma_wait3A_31] : memref<2x!tpu.dma_semaphore, #tpu.memory_space<semaphore_mem>> -> memref<1x!tpu.dma_semaphore, #tpu.memory_space<semaphore_mem>>
    %dma_wait3A_39 = tpu.memref_squeeze %dma_wait3A_38 : memref<1x!tpu.dma_semaphore, #tpu.memory_space<semaphore_mem>> -> memref<!tpu.dma_semaphore, #tpu.memory_space<semaphore_mem>>
    %dma_wait3A_40 = arith.constant 0 : i32
    %dma_wait3A_41 = tpu.memref_slice %arg4[%add3A_30, %dma_wait3A_40] : memref<832x16384xf32, #tpu.memory_space<hbm>> -> memref<1x4096xf32, #tpu.memory_space<hbm>>
    %dma_wait3A_42 = tpu.memref_squeeze %dma_wait3A_41 : memref<1x4096xf32, #tpu.memory_space<hbm>> -> memref<4096xf32, #tpu.memory_space<hbm>>
    %dma_wait3A_43 = arith.constant 0 : i32
    %dma_wait3A_44 = tpu.memref_slice %arg7[%dma_wait3A, %dma_wait3A_43] : memref<2x4096xf32, #tpu.memory_space<vmem>> -> memref<1x4096xf32, #tpu.memory_space<vmem>>
    %dma_wait3A_45 = tpu.memref_squeeze %dma_wait3A_44 : memref<1x4096xf32, #tpu.memory_space<vmem>> -> memref<4096xf32, #tpu.memory_space<vmem>>
    tpu.wait_dma2 semaphore(%dma_wait3A_39 : memref<!tpu.dma_semaphore, #tpu.memory_space<semaphore_mem>>) src(%dma_wait3A_45 : memref<4096xf32, #tpu.memory_space<vmem>>) dst(%dma_wait3A_42 : memref<4096xf32, #tpu.memory_space<hbm>>)
    %add3A_46 = arith.constant 0 : i32
    %add3A_47 = arith.addi %add3A_46, %add3A : i32
    %dma_wait3A_48 = arith.constant 1 : i32
    %dma_wait3A_49 = arith.constant 1 : i32
    %dma_wait3A_50 = arith.constant 0 : i32
    %dma_wait3A_51 = tpu.memref_slice %arg7[%dma_wait3A_48, %dma_wait3A_50] : memref<2x4096xf32, #tpu.memory_space<vmem>> -> memref<1x4096xf32, #tpu.memory_space<vmem>>
    %dma_wait3A_52 = tpu.memref_squeeze %dma_wait3A_51 : memref<1x4096xf32, #tpu.memory_space<vmem>> -> memref<4096xf32, #tpu.memory_space<vmem>>
    %dma_wait3A_53 = arith.constant 0 : i32
    %dma_wait3A_54 = tpu.memref_slice %arg4[%add3A_47, %dma_wait3A_53] : memref<832x16384xf32, #tpu.memory_space<hbm>> -> memref<1x4096xf32, #tpu.memory_space<hbm>>
    %dma_wait3A_55 = tpu.memref_squeeze %dma_wait3A_54 : memref<1x4096xf32, #tpu.memory_space<hbm>> -> memref<4096xf32, #tpu.memory_space<hbm>>
    %dma_wait3A_56 = tpu.memref_slice %arg10[%dma_wait3A_49] : memref<2x!tpu.dma_semaphore, #tpu.memory_space<semaphore_mem>> -> memref<1x!tpu.dma_semaphore, #tpu.memory_space<semaphore_mem>>
    %dma_wait3A_57 = tpu.memref_squeeze %dma_wait3A_56 : memref<1x!tpu.dma_semaphore, #tpu.memory_space<semaphore_mem>> -> memref<!tpu.dma_semaphore, #tpu.memory_space<semaphore_mem>>
    %dma_wait3A_58 = arith.constant 0 : i32
    %dma_wait3A_59 = tpu.memref_slice %arg4[%add3A_47, %dma_wait3A_58] : memref<832x16384xf32, #tpu.memory_space<hbm>> -> memref<1x4096xf32, #tpu.memory_space<hbm>>
    %dma_wait3A_60 = tpu.memref_squeeze %dma_wait3A_59 : memref<1x4096xf32, #tpu.memory_space<hbm>> -> memref<4096xf32, #tpu.memory_space<hbm>>
    %dma_wait3A_61 = arith.constant 0 : i32
    %dma_wait3A_62 = tpu.memref_slice %arg7[%dma_wait3A_48, %dma_wait3A_61] : memref<2x4096xf32, #tpu.memory_space<vmem>> -> memref<1x4096xf32, #tpu.memory_space<vmem>>
    %dma_wait3A_63 = tpu.memref_squeeze %dma_wait3A_62 : memref<1x4096xf32, #tpu.memory_space<vmem>> -> memref<4096xf32, #tpu.memory_space<vmem>>
    tpu.wait_dma2 semaphore(%dma_wait3A_57 : memref<!tpu.dma_semaphore, #tpu.memory_space<semaphore_mem>>) src(%dma_wait3A_63 : memref<4096xf32, #tpu.memory_space<vmem>>) dst(%dma_wait3A_60 : memref<4096xf32, #tpu.memory_space<hbm>>)
    return
  }
}

</mosaic_0001>

<sc_bundles>
// kernel: kernel.3.cloned.1.call-start
scs
__scs_entry_jumppad:
0x0: {  	(pc) =	sbr.rel $0x88, $3  }
0x1: {  	(tag) =	ssettag $0x0;
	lr =	simm.s32 $0x1  }
0x2: {  	[smem:$0x3F9F] =	sst lr;
	_ =	strace $0xD0000000  }
0x3: {  	_ = 	snop  }
0x4: {  	_ = 	snop  }
0x5: {  	_ = 	snop  }
0x6: {  	_ = 	snop  }
0x7: {  	_ = 	snop  }
__scs_overlays_trampoline_lowered:
0x8: {  	[smem:$0x3FAE] =	sst s0  }
0x9: {  	[smem:$0x3FAF] =	sst s1  }
0xa: {  	[smem:$0x3FB0] =	sst s2  }
0xb: {  	[smem:$0x3FB1] =	sst s3  }
0xc: {  	[smem:$0x3FB2] =	sst s4  }
0xd: {  	[smem:$0x3FB3] =	sst s5  }
0xe: {  	[smem:$0x3FB4] =	sst s6  }
0xf: {  	[smem:$0x3FB5] =	sst s7  }
0x10: {  	[smem:$0x3FB6] =	sst s8  }
0x11: {  	[smem:$0x3FB7] =	sst s9;
	s0 =	simm.s32 @!p0 $0x0  }
0x12: {  	s1 =	sld [smem:$0x3F9D];
	s0 =	simm.s32 @p0 $0x1  }
0x13: {  	[smem:$0x3FB8] =	sst s0;
	s0 =	simm.s32 @!p1 $0x0  }
0x14: {  	s2 =	sld [smem:$0x3F9C];
	s0 =	simm.s32 @p1 $0x1  }
0x15: {  	[smem:$0x3FB9] =	sst s0;
	s0 =	simm.s32 @!p2 $0x0  }
0x16: {  	s3 =	sld [smem:$0x3FDB];
	s0 =	simm.s32 @p2 $0x1  }
0x17: {  	s4 =	simm.s32 $0x1BF5;
	[smem:$0x3FBB] =	sst s0  }
0x18: {  	s0 =	sld [smem:$0x3F9E];
	_ =	swait.ge [sflag:s4], $0x0  }
0x19: {  	s7 =	sld [smem:$0x3F9F]  }
0x1a: {  	s8 =	sadd.s32 $0xFFFFE003, lr  }
0x1b: {  	s9 =	sadd.s32 $0xFFFFFEF7, lr;
	s5 =	simm.s32 $0xFFFFFFFF;
	p2 =	slt.u32 s8, $0xFFFFF086  }
0x1c: {  	p1 =	slt.u32 s9, $0xF7A;
	s5 =	simm.s32 @!p2 $0x0  }
0x1d: {  	s5 =	simm.s32 @p1 $0x1;
	p0 =	seq.s32 s7, s2  }
0x1e: {  	s7 =	smul.u32 @!p0 $0xF7A, s2;
	p2 =	seq.s32 @!p0 s5, $0x0  }
0x1f: {  	s9 =	smul.u32 $0xF7A, s1;
	s8 =	simm.s32 @!p0 $0x1BF5;
	p2 =	por !p2, p0  }
0x20: {  	[sflag:s8] =	ssyncset.s32 @!p0 $0xFFFFF086;
	s6 =	sadd.s32 @!p0 s3, s7;
	s7 =	simm.s32 @!p0 $0x108  }
0x21: {  	s3 =	sadd.s32 s3, s9;
	s6 =	sadd.s32 @!p0 $0x88, s6;
	s7 =	simm.s32 @p2 $0x1082  }
0x22: {  	[simem:s7], [sflag:s8] =	dma.local @!p0 [hbm:s6], $0xF7A  }
0x23: {  	s9 =	sor.u32 $0xD0000000, s2;
	s6 =	simm.s32 $0x108;
	_ =	swait.ge @!p0 [sflag:s8], $0x0  }
0x24: {  	s3 =	sadd.s32 $0x88, s3;
	s6 =	simm.s32 @!p1 $0x1082;
	[sflag:s4] =	ssyncset.s32 $0xFFFFF086  }
0x25: {  	[simem:s6], [sflag:s4] =	dma.local [hbm:s3], $0xF7A  }
0x26: {  	[smem:$0x3F9F] =	sst s1;
	(tag) =	ssettag s2;
	_ =	strace s9  }
0x27: {  	s1 =	sld [smem:$0x3FAF]  }
0x28: {  	s2 =	sld [smem:$0x3FB0]  }
0x29: {  	s4 =	sld [smem:$0x3FB2]  }
0x2a: {  	p0 =	seq.s32 s5, $0x0;
	s5 =	sld [smem:$0x3FB3]  }
0x2b: {  	s6 =	sld [smem:$0x3FB4]  }
0x2c: {  	s7 =	sld [smem:$0x3FB5]  }
0x2d: {  	s3 =	simm.s32 $0x108;
	s8 =	sld [smem:$0x3FB6]  }
0x2e: {  	s3 =	simm.s32 @!p0 $0x1082;
	s9 =	sld [smem:$0x3FB7]  }
0x2f: {  	lr =	sadd.s32 s0, s3;
	s0 =	sld [smem:$0x3FAE]  }
0x30: {  	s3 =	sld [smem:$0x3FB1]  }
0x31: {  	[smem:$0x3FBA] =	sst s10  }
0x32: {  	s10 =	sld [smem:$0x3FB8];
	_ =	sdelay $0x3  }
0x33: {  	p0 =	seq.s32 s10, $0x1;
	s10 =	sld [smem:$0x3FBA];
	_ =	sdelay $0x3  }
0x34: {  	[smem:$0x3FBA] =	sst s10  }
0x35: {  	s10 =	sld [smem:$0x3FB9];
	_ =	sdelay $0x3  }
0x36: {  	p1 =	seq.s32 s10, $0x1;
	s10 =	sld [smem:$0x3FBA];
	_ =	sdelay $0x3  }
0x37: {  	[smem:$0x3FBA] =	sst s10  }
0x38: {  	s10 =	sld [smem:$0x3FBB]  }
0x39: {  	_ = 	snop;
	(pc) =	sbr.ind lr, $3  }
0x3a: {  	_ = 	snop  }
0x3b: {  	_ = 	snop  }
0x3c: {  	p2 =	seq.s32 s10, $0x1;
	s10 =	sld [smem:$0x3FBA]  }
0x3d: {  	_ =	shalt  }
0x3e: {  	_ =	shalt  }
0x3f: {  	_ =	shalt  }
0x40: {  	_ =	shalt  }
0x41: {  	_ =	shalt  }
0x42: {  	_ =	shalt  }
0x43: {  	_ =	shalt  }
0x44: {  	_ =	shalt  }
0x45: {  	_ =	shalt  }
0x46: {  	_ =	shalt  }
0x47: {  	_ =	shalt  }
0x48: {  	_ =	shalt  }
0x49: {  	_ =	shalt  }
0x4a: {  	_ =	shalt  }
0x4b: {  	_ =	shalt  }
0x4c: {  	_ =	shalt  }
0x4d: {  	_ =	shalt  }
0x4e: {  	_ =	shalt  }
0x4f: {  	_ =	shalt  }
0x50: {  	_ =	shalt  }
0x51: {  	_ =	shalt  }
0x52: {  	_ =	shalt  }
0x53: {  	_ =	shalt  }
0x54: {  	_ =	shalt  }
0x55: {  	_ =	shalt  }
0x56: {  	_ =	shalt  }
0x57: {  	_ =	shalt  }
0x58: {  	_ =	shalt  }
0x59: {  	_ =	shalt  }
0x5a: {  	_ =	shalt  }
0x5b: {  	_ =	shalt  }
0x5c: {  	_ =	shalt  }
0x5d: {  	_ =	shalt  }
0x5e: {  	_ =	shalt  }
0x5f: {  	_ =	shalt  }
0x60: {  	_ =	shalt  }
0x61: {  	_ =	shalt  }
0x62: {  	_ =	shalt  }
0x63: {  	_ =	shalt  }
0x64: {  	_ =	shalt  }
0x65: {  	_ =	shalt  }
0x66: {  	_ =	shalt  }
0x67: {  	_ =	shalt  }
0x68: {  	_ =	shalt  }
0x69: {  	_ =	shalt  }
0x6a: {  	_ =	shalt  }
0x6b: {  	_ =	shalt  }
0x6c: {  	_ =	shalt  }
0x6d: {  	_ =	shalt  }
0x6e: {  	_ =	shalt  }
0x6f: {  	_ =	shalt  }
0x70: {  	_ =	shalt  }
0x71: {  	_ =	shalt  }
0x72: {  	_ =	shalt  }
0x73: {  	_ =	shalt  }
0x74: {  	_ =	shalt  }
0x75: {  	_ =	shalt  }
0x76: {  	_ =	shalt  }
0x77: {  	_ =	shalt  }
0x78: {  	_ =	shalt  }
0x79: {  	_ =	shalt  }
0x7a: {  	_ =	shalt  }
0x7b: {  	_ =	shalt  }
0x7c: {  	_ =	shalt  }
0x7d: {  	_ =	shalt  }
0x7e: {  	_ =	shalt  }
0x7f: {  	_ =	shalt  }
0x80: {  	_ =	shalt  }
0x81: {  	_ =	shalt  }
0x82: {  	_ =	shalt  }
0x83: {  	_ =	shalt  }
0x84: {  	_ =	shalt  }
0x85: {  	_ =	shalt  }
0x86: {  	_ =	shalt  }
0x87: {  	_ =	shalt  }
.Lfunc_end0:
.L_simem_size_0:
called_computation_lowered:
.L_overlay_start_0:
0x88: {  	s2 =	sld [smem:$0x3FD9]  }
0x89: {  	s3 =	sld [smem:$0x3FFE];
	_ =	sdelay $0x1  }
0x8a: {  	s1 =	srdreg.scid  }
0x8b: {  	s0 =	sand.u32 $0x1, s1  }
0x8c: {  	s18 =	sshll.u32 s0, $0xA;
	s2 =	sadd.s32 s3, s2  }
0x8d: {  	s2 =	sadd.s32 s2, s18  }
0x8e: {  	[smem:$0x3FC6] =	sst s2  }
0x8f: {  	_ = 	snop  }
0x90: {  	s2 =	sld [smem:$0x3FC9]  }
0x91: {  	s19 =	sld [smem:$0x3FC8]  }
0x92: {  	s4 =	sld [smem:$0x3FD0];
	(tm) =	ssettm $0x1  }
0x93: {  	s5 =	sld [smem:$0x3FFB];
	_ =	sdelay $0x3  }
0x94: {  	_ =	strace s5  }
0x95: {  	s5 =	sld [smem:$0x3FFC];
	_ =	sdelay $0x3  }
0x96: {  	_ =	strace s5  }
0x97: {  	s5 =	sld [smem:$0x3FFD];
	_ =	sdelay $0x3  }
0x98: {  	_ =	strace s5  }
0x99: {  	_ =	strace $0x8FFFFFFF  }
0x9a: {  	s20 =	sld [smem:$0x3FDB];
	_ =	sdelay $0x1  }
0x9b: {  	s6 =	simm.s32 $_scs_section_size  }
0x9c: {  	s7 =	simm.s32 $_size__tile_overlayer_lowered;
	s8 =	simm.s32 $_tile_overlayer_lowered  }
0x9d: {  	s23 =	simm.s32 $0x1BFF;
	s22 =	sshll.u32 s8, $0x1;
	s5 =	sadd.s32 s6, s20  }
0x9e: {  	s9 =	simm.s32 $0x0;
	s21 =	sshll.u32 s7, $0x1;
	s7 =	sadd.s32 s22, s5  }
0x9f: {  	[timem:s9], [sflag:s23] =	dma.local [hbm:s7], s21  }
0xa0: {  	_ =	swait.ge [sflag:s23], s21  }
0xa1: {  	s6 =	ssub.s32 $0x0, s21;
	[sflag:s23] =	ssyncset.done $0x0  }
0xa2: {  	[sflag:s23] =	ssyncadd.s32 s6;
	_ =	sdelay $0x1  }
0xa3: {  	s24 =	simm.s32 $0x1B8B  }
0xa4: {  	_ =	swait.ge [sflag:s24], $0x1  }
0xa5: {  	[sflag:s24] =	ssyncset.done $0x0  }
0xa6: {  	s25 =	simm.s32 $0x1B8E;
	[sflag:s24] =	ssyncadd.s32 $0xFFFFFFFF  }
0xa7: {  	s26 =	simm.s32 $execute0_lowered;
	[smem:$0x3FD2] =	sst s25  }
0xa8: {  	s6 =	sshll.u32 s26, $0x1;
	_ =	strace $0x80000046;
	[dreg:$0x1] =	wrdreg $0xFFFFFFFF  }
0xa9: {  	s28 =	simm.s32 $_size_execute0_lowered;
	s5 =	sadd.s32 s5, s6;
	[dreg:$0x0] =	wrdreg $0x0  }
0xaa: {  	s6 =	sshll.u32 s28, $0x1;
	[dreg:$0x2] =	wrdreg s5  }
0xab: {  	[dreg:$0x3] =	wrdreg s6  }
0xac: {  	[dreg:$0x4] =	wrdreg $0xC0  }
0xad: {  	_ =	task [dreg:s9], $0x5FFFF  }
0xae: {  	[dreg:$0x1] =	wrdreg $0xFFFFFFFF  }
0xaf: {  	[dreg:$0x0] =	wrdreg $0x60  }
0xb0: {  	[dreg:$0x2] =	wrdreg s2  }
0xb1: {  	[dreg:$0x3] =	wrdreg s19  }
0xb2: {  	[dreg:$0x4] =	wrdreg s4  }
0xb3: {  	[dreg:$0x5] =	wrdreg $0x9  }
0xb4: {  	_ =	task.clear_ibuf [dreg:s9], $0x6FFFF;
	_ =	strace $0x90000046  }
0xb5: {  	s29 =	simm.s32 $0x9;
	_ =	strace $0x80000048  }
0xb6: {  	_ =	swait.ge [sflag:s29], $0x1  }
0xb7: {  	[sflag:s29] =	ssyncadd.s32 $0xFFFFFFFF  }
0xb8: {  	_ =	strace $0x90000048  }
0xb9: {  	_ =	sfence  }
0xba: {  	s30 =	sld [smem:$0x0];
	_ =	sdelay $0x2  }
0xbb: {  	s31 =	sshll.u32 s1, $0xD;
	s1 =	sshrl.u32 s1, $0x2  }
0xbc: {  	s3 =	sand.u32 $0x4000, s31;
	s1 =	sadd.s32 s1, s30  }
0xbd: {  	s0 =	sor.u32 s3, s0;
	s1 =	sshll.u32 s1, $0x11  }
0xbe: {  	s0 =	sor.u32 s1, s0  }
0xbf: {  	s0 =	sadd.s32 $0x8F2B, s0  }
0xc0: {  	[sflag:s0] =	ssyncadd.remote.s32 $0x1  }
0xc1: {  	_ =	sfence.sel $0xFFFF  }
0xc2: {  	[dreg:$0x0] =	wrdreg $0xFFFFFFFF;
	(pc) =	sbr.abs _section_cstart, $3  }
0xc3: {  	[dreg:$0x1] =	wrdreg $0xFFFFFFFF  }
0xc4: {  	_ =	task.clear_ibuf [dreg:s9], $0x2FFFF;
	_ =	strace $0x9FFFFFFF  }
0xc5: {  	(tm) =	ssettm $0x7FFFFFFF  }
tec
execute0_lowered:
.L_overlay_start_1:
0x0: {  	(tag) =	ssettag $0x1  }
0x1: {  	s1 =	rddreg [dreg:$0x0]  }
0x2: {  	s3 =	rddreg [dreg:$0x1]  }
0x3: {  	s4 =	rddreg [dreg:$0x2]  }
0x4: {  	s0 =	srdreg.scid;
	s10 =	stileid.u32  }
0x5: {  	s17 =	simm.s32 $0x80;
	s18 =	simm.s32 $0x400;
	s19 =	simm.s32 $0x1  }
0x6: {  	s20 =	simm.s32 $0x2;
	s21 =	simm.s32 $0x3;
	s22 =	simm.s32 $0x4  }
0x7: {  	s23 =	simm.s32 $0x5;
	s24 =	simm.s32 $0x0;
	s0 =	sand.u32 $0x1, s0  }
0x8: {  	s2 =	sshrl.u32 s10, $0x2;
	s5 =	sshll.u32 s10, $0x8;
	s9 =	sadd.s32 $0x1000, s1  }
0x9: {  	s31 =	sshll.u32 s10, $0xF;
	s11 =	sadd.s32 $0x2000, s1;
	s12 =	sadd.s32 $0x1000, s4  }
0xa: {  	s13 =	sadd.s32 $0x3000, s1;
	s14 =	sadd.s32 $0x2000, s4;
	s15 =	sadd.s32 $0x3000, s4  }
0xb: {  	s2 =	smul.u32 $0xC3800, s2;
	s6 =	sshll.u32 s0, $0x7;
	s7 =	sand.u32 $0x300, s5  }
0xc: {  	s5 =	simm.s32 $0x0;
	s0 =	ssub.s32 $0x2, s0;
	s6 =	sor.u32 s6, s7  }
0xd: {  	s10 =	sand.u32 $0x60000, s31;
	s8 =	sshrl.u32 s0, $0x1;
	s7 =	sor.u32 s2, s6  }
0xe: {  	[smem:$0x7FF] =	sst s5;
	s0 =	ssub.s32 s0, s8;
	s2 =	sshrl.u32 s7, $0x3  }
0xf: {  	_ =	strace $0x80000047;
	s16 =	smax.u32 s0, $0x1;
	s8 =	sadd.s32 s3, s2  }
.LBB2_1:
0x10: {  	s25 =	simm.s32 $0x18700  }
0x11: {  	s26 =	simm.s32 $0x80;
	s0 =	sadd.s32 $0x0, s1;
	s28 =	simm.s32 $0x18800  }
.LBB2_2:
0x12: {  	[tilespmem:s25], [sflag:$0x2] =	stream.linear.gather [hbm4b:s0+s5], $0x80, $0x38;
	[tilespmem:$0x1C700] =	vst v63  }
0x13: {  	s0 =	smov.u32 s26;
	s25 =	smov.u32 s28;
	p0 =	sne.s32 s26, $0xF80  }
.Ltmp0:
0x14: {  	s26 =	sadd.s32 $0x80, s26;
	(pc) =	sbr.rel @p0 .LBB2_2-.Ltmp0, $2  }
0x15: {  	_ =	sdelay $0x2  }
0x16: {  	s28 =	sadd.s32 $0x100, s28;
	s0 =	sadd.s32 s0, s1  }
0x17: {  	[tilespmem:s25], [sflag:$0x2] =	stream.linear.gather [hbm4b:s0+s5], $0x80, $0x38;
	[tilespmem:$0x1C700] =	vst v63  }
0x18: {  	s25 =	simm.s32 $0x0  }
0x19: {  	[tilespmem:s25], [sflag:$0x1] =	stream.strided.gather [hbm4b:s8+s17], $0x18700, s18, s17, $0x38;
	[tilespmem:$0x1C700] =	vst v63  }
.LBB2_4:
0x1a: {  	_ =	swait.ge [sflag:s19], $0x18700  }
0x1b: {  	s0 =	sshll.u32 s25, $0xB;
	s2 =	sshll.u32 s25, $0x4;
	[sflag:s19] =	ssyncset.done $0x0  }
0x1c: {  	s0 =	sand.u32 $0xC000, s0;
	s2 =	sand.u32 $0x70, s2;
	[sflag:s19] =	ssyncadd.s32 $0xFFFE7900  }
0x1d: {  	s29 =	simm.s32 $0x18780;
	s28 =	sor.u32 s2, s0;
	_ =	swait.ge [sflag:s20], $0x1000  }
0x1e: {  	s30 =	simm.s32 $0x80;
	s26 =	sadd.s32 s28, s9;
	[sflag:s20] =	ssyncset.done $0x0  }
0x1f: {  	s31 =	simm.s32 $0x18880;
	s0 =	sadd.s32 $0x0, s26;
	[sflag:s20] =	ssyncadd.s32 $0xFFFFF000  }
.LBB2_5:
0x20: {  	[tilespmem:s29], [sflag:$0x3] =	stream.linear.gather [hbm4b:s0+s5], $0x80, $0x38;
	[tilespmem:$0x1C700] =	vst v63  }
0x21: {  	s0 =	smov.u32 s30;
	s29 =	smov.u32 s31;
	p0 =	sne.s32 s30, $0xF80  }
.Ltmp1:
0x22: {  	s30 =	sadd.s32 $0x80, s30;
	(pc) =	sbr.rel @p0 .LBB2_5-.Ltmp1, $2  }
0x23: {  	_ =	sdelay $0x2  }
0x24: {  	s31 =	sadd.s32 $0x100, s31;
	s0 =	sadd.s32 s0, s26  }
0x25: {  	[tilespmem:s29], [sflag:$0x3] =	stream.linear.gather [hbm4b:s0+s5], $0x80, $0x38;
	[tilespmem:$0x1C700] =	vst v63  }
0x26: {  	p0 =	seq.s32 s25, $0x0  }
0x27: {  	s0 =	simm.s32 @!p0 $0x4  }
0x28: {  	_ =	swait.ge @!p0 [sflag:s0], $0x1000  }
0x29: {  	[sflag:s0] =	ssyncset.done @!p0 $0x0  }
0x2a: {  	s31 =	simm.s32 $0x18800;
	[sflag:s0] =	ssyncadd.s32 @!p0 $0xFFFFF000  }
0x2b: {  	v0 =	vld [tilespmem:s31+$0x70]  }
0x2c: {  	v1 =	vld [tilespmem:s31+$0xFFFFFF10]  }
0x2d: {  	v2 =	vld [tilespmem:s31+$0xFFFFFF20]  }
0x2e: {  	v3 =	vld [tilespmem:s31+$0xFFFFFF30]  }
0x2f: {  	v4 =	vld [tilespmem:s31+$0xFFFFFF40]  }
0x30: {  	v5 =	vld [tilespmem:s31+$0xFFFFFF50]  }
0x31: {  	v6 =	vld [tilespmem:s31+$0xFFFFFF60]  }
0x32: {  	v7 =	vld [tilespmem:s31+$0xFFFFFF70]  }
0x33: {  	v8 =	vld [tilespmem:s31+$0x0]  }
0x34: {  	v9 =	vld [tilespmem:s31+$0x10]  }
0x35: {  	v10 =	vld [tilespmem:s31+$0x20]  }
0x36: {  	v11 =	vld [tilespmem:s31+$0x30]  }
0x37: {  	v12 =	vld [tilespmem:s31+$0x40]  }
0x38: {  	v13 =	vld [tilespmem:s31+$0x50]  }
0x39: {  	v14 =	vld [tilespmem:s31+$0x60]  }
0x3a: {  	v15 =	vld [tilespmem:s31+$0xFFFFFF00]  }
0x3b: {  	v0 =	vld.idx.msk [tilespmem:v0+s5+$0x0], $0xffff  }
0x3c: {  	v1 =	vld.idx.msk [tilespmem:v1+s5+$0x0], $0xffff  }
0x3d: {  	v2 =	vld.idx.msk [tilespmem:v2+s5+$0x0], $0xffff  }
0x3e: {  	v3 =	vld.idx.msk [tilespmem:v3+s5+$0x0], $0xffff  }
0x3f: {  	v4 =	vld.idx.msk [tilespmem:v4+s5+$0x0], $0xffff  }
0x40: {  	s29 =	simm.s32 $0x1A800;
	v16 =	vld.idx.msk [tilespmem:v5+s5+$0x0], $0xffff  }
0x41: {  	v6 =	vld.idx.msk [tilespmem:v6+s5+$0x0], $0xffff;
	[tilespmem:s29+$0x70] =	vst v0  }
0x42: {  	v7 =	vld.idx.msk [tilespmem:v7+s5+$0x0], $0xffff;
	[tilespmem:s29+$0xFFFFFF10] =	vst v1  }
0x43: {  	v15 =	vld.idx.msk [tilespmem:v15+s5+$0x0], $0xffff;
	[tilespmem:s29+$0xFFFFFF20] =	vst v2  }
0x44: {  	v8 =	vld.idx.msk [tilespmem:v8+s5+$0x0], $0xffff;
	[tilespmem:s29+$0xFFFFFF30] =	vst v3  }
0x45: {  	v5 =	vld.idx.msk [tilespmem:v9+s5+$0x0], $0xffff;
	[tilespmem:s29+$0xFFFFFF40] =	vst v4  }
0x46: {  	[tilespmem:s29+$0xFFFFFF50] =	vst v16;
	v0 =	vld.idx.msk [tilespmem:v10+s5+$0x0], $0xffff  }
0x47: {  	[tilespmem:s29+$0xFFFFFF60] =	vst v6;
	v1 =	vld.idx.msk [tilespmem:v11+s5+$0x0], $0xffff  }
0x48: {  	[tilespmem:s29+$0xFFFFFF70] =	vst v7;
	v2 =	vld.idx.msk [tilespmem:v12+s5+$0x0], $0xffff  }
0x49: {  	[tilespmem:s29+$0xFFFFFF00] =	vst v15;
	v3 =	vld.idx.msk [tilespmem:v13+s5+$0x0], $0xffff  }
0x4a: {  	s26 =	simm.s32 $0x0;
	s30 =	simm.s32 $0x18A00;
	[tilespmem:s29+$0x0] =	vst v8;
	v4 =	vld.idx.msk [tilespmem:v14+s5+$0x0], $0xffff  }
.LBB2_7:
0x4b: {  	v6 =	vld [tilespmem:s30+$0x70];
	s26 =	sadd.s32 $0x100, s26;
	[tilespmem:s29+$0x10] =	vst v5  }
0x4c: {  	v5 =	vld [tilespmem:s30+$0xFFFFFF10];
	p1 =	slt.u32 s26, $0xF00;
	[tilespmem:s29+$0x20] =	vst v0  }
0x4d: {  	v0 =	vld [tilespmem:s30+$0xFFFFFF20];
	[tilespmem:s29+$0x30] =	vst v1  }
0x4e: {  	v1 =	vld [tilespmem:s30+$0xFFFFFF30];
	[tilespmem:s29+$0x40] =	vst v2  }
0x4f: {  	v2 =	vld [tilespmem:s30+$0xFFFFFF40];
	[tilespmem:s29+$0x50] =	vst v3  }
0x50: {  	v3 =	vld [tilespmem:s30+$0xFFFFFF50];
	[tilespmem:s29+$0x60] =	vst v4  }
0x51: {  	v4 =	vld [tilespmem:s30+$0xFFFFFF60]  }
0x52: {  	v7 =	vld [tilespmem:s30+$0xFFFFFF70]  }
0x53: {  	v6 =	vld.idx.msk [tilespmem:v6+s5+$0x0], $0xffff  }
0x54: {  	v8 =	vld [tilespmem:s30+$0x0]  }
0x55: {  	v9 =	vld [tilespmem:s30+$0x10]  }
0x56: {  	v10 =	vld [tilespmem:s30+$0x20]  }
0x57: {  	v11 =	vld [tilespmem:s30+$0x30]  }
0x58: {  	s29 =	sadd.s32 $0x200, s29;
	v12 =	vld [tilespmem:s30+$0x40]  }
0x59: {  	v13 =	vld [tilespmem:s30+$0x50];
	[tilespmem:s29+$0x70] =	vst v6  }
0x5a: {  	v6 =	vld [tilespmem:s30+$0x60]  }
0x5b: {  	v14 =	vld [tilespmem:s30+$0xFFFFFF00]  }
0x5c: {  	v5 =	vld.idx.msk [tilespmem:v5+s5+$0x0], $0xffff  }
0x5d: {  	v0 =	vld.idx.msk [tilespmem:v0+s5+$0x0], $0xffff  }
0x5e: {  	v1 =	vld.idx.msk [tilespmem:v1+s5+$0x0], $0xffff  }
0x5f: {  	v2 =	vld.idx.msk [tilespmem:v2+s5+$0x0], $0xffff  }
0x60: {  	v3 =	vld.idx.msk [tilespmem:v3+s5+$0x0], $0xffff  }
0x61: {  	v4 =	vld.idx.msk [tilespmem:v4+s5+$0x0], $0xffff  }
0x62: {  	[tilespmem:s29+$0xFFFFFF10] =	vst v5;
	v7 =	vld.idx.msk [tilespmem:v7+s5+$0x0], $0xffff  }
0x63: {  	v14 =	vld.idx.msk [tilespmem:v14+s5+$0x0], $0xffff;
	[tilespmem:s29+$0xFFFFFF20] =	vst v0  }
0x64: {  	[tilespmem:s29+$0xFFFFFF30] =	vst v1;
	v8 =	vld.idx.msk [tilespmem:v8+s5+$0x0], $0xffff  }
0x65: {  	[tilespmem:s29+$0xFFFFFF40] =	vst v2;
	v5 =	vld.idx.msk [tilespmem:v9+s5+$0x0], $0xffff  }
.Ltmp2:
0x66: {  	[tilespmem:s29+$0xFFFFFF50] =	vst v3;
	v0 =	vld.idx.msk [tilespmem:v10+s5+$0x0], $0xffff;
	(pc) =	sbr.rel @p1 .LBB2_7-.Ltmp2, $4  }
0x67: {  	[tilespmem:s29+$0xFFFFFF60] =	vst v4;
	v1 =	vld.idx.msk [tilespmem:v11+s5+$0x0], $0xffff  }
0x68: {  	[tilespmem:s29+$0xFFFFFF70] =	vst v7;
	v2 =	vld.idx.msk [tilespmem:v12+s5+$0x0], $0xffff  }
0x69: {  	[tilespmem:s29+$0xFFFFFF00] =	vst v14;
	v3 =	vld.idx.msk [tilespmem:v13+s5+$0x0], $0xffff  }
0x6a: {  	s30 =	sadd.s32 $0x200, s30;
	[tilespmem:s29+$0x0] =	vst v8;
	v4 =	vld.idx.msk [tilespmem:v6+s5+$0x0], $0xffff  }
0x6b: {  	[tilespmem:s29+$0x10] =	vst v5;
	s0 =	sshll.u32 s25, $0x13  }
0x6c: {  	[tilespmem:s29+$0x20] =	vst v0;
	s0 =	sor.u32 s0, s10  }
0x6d: {  	[tilespmem:s29+$0x30] =	vst v1;
	s0 =	sor.u32 s6, s0  }
0x6e: {  	[tilespmem:s29+$0x40] =	vst v2;
	s26 =	sshrl.u32 s0, $0x3  }
0x6f: {  	s31 =	simm.s32 $0x1A700;
	[tilespmem:s29+$0x50] =	vst v3;
	s30 =	sadd.s32 s4, s26  }
0x70: {  	s0 =	simm.s32 $0x1A800;
	[tilespmem:s29+$0x60] =	vst v4;
	s29 =	simm.s32 $0x80;
	s2 =	sadd.s32 $0x0, s30  }
.LBB2_9:
0x71: {  	[hbm4b:s2+s5] =	stream.linear.scatter [tilespmem:s31], [sflag:$0x4], $0x80, $0x38;
	[tilespmem:$0x1C700] =	vst v63  }
0x72: {  	s2 =	smov.u32 s29;
	s31 =	smov.u32 s0;
	p1 =	sne.s32 s29, $0xF80  }
.Ltmp3:
0x73: {  	s29 =	sadd.s32 $0x80, s29;
	(pc) =	sbr.rel @p1 .LBB2_9-.Ltmp3, $2  }
0x74: {  	_ =	sdelay $0x2  }
0x75: {  	s0 =	sadd.s32 $0x100, s0;
	s2 =	sadd.s32 s2, s30  }
0x76: {  	[hbm4b:s2+s5] =	stream.linear.scatter [tilespmem:s31], [sflag:$0x4], $0x80, $0x38;
	[tilespmem:$0x1C700] =	vst v63  }
0x77: {  	s29 =	sadd.s32 s28, s11;
	_ =	swait.ge [sflag:s21], $0x1000  }
0x78: {  	s30 =	simm.s32 $0x18700;
	s31 =	simm.s32 $0x80;
	[sflag:s21] =	ssyncset.done $0x0  }
0x79: {  	s0 =	simm.s32 $0x18800;
	s2 =	sadd.s32 $0x0, s29;
	[sflag:s21] =	ssyncadd.s32 $0xFFFFF000  }
.LBB2_11:
0x7a: {  	[tilespmem:s30], [sflag:$0x2] =	stream.linear.gather [hbm4b:s2+s5], $0x80, $0x38;
	[tilespmem:$0x1C700] =	vst v63  }
0x7b: {  	s2 =	smov.u32 s31;
	s30 =	smov.u32 s0;
	p1 =	sne.s32 s31, $0xF80  }
.Ltmp4:
0x7c: {  	s31 =	sadd.s32 $0x80, s31;
	(pc) =	sbr.rel @p1 .LBB2_11-.Ltmp4, $2  }
0x7d: {  	_ =	sdelay $0x2  }
0x7e: {  	s0 =	sadd.s32 $0x100, s0;
	s2 =	sadd.s32 s2, s29  }
0x7f: {  	[tilespmem:s30], [sflag:$0x2] =	stream.linear.gather [hbm4b:s2+s5], $0x80, $0x38;
	[tilespmem:$0x1C700] =	vst v63  }
0x80: {  	s0 =	simm.s32 @!p0 $0x5  }
0x81: {  	_ =	swait.ge @!p0 [sflag:s0], $0x1000  }
0x82: {  	[sflag:s0] =	ssyncset.done @!p0 $0x0  }
0x83: {  	s2 =	simm.s32 $0x18880;
	[sflag:s0] =	ssyncadd.s32 @!p0 $0xFFFFF000  }
0x84: {  	v0 =	vld [tilespmem:s2+$0x70]  }
0x85: {  	v1 =	vld [tilespmem:s2+$0xFFFFFF10]  }
0x86: {  	v2 =	vld [tilespmem:s2+$0xFFFFFF20]  }
0x87: {  	v3 =	vld [tilespmem:s2+$0xFFFFFF30]  }
0x88: {  	v4 =	vld [tilespmem:s2+$0xFFFFFF40]  }
0x89: {  	v5 =	vld [tilespmem:s2+$0xFFFFFF50]  }
0x8a: {  	v6 =	vld [tilespmem:s2+$0xFFFFFF60]  }
0x8b: {  	v7 =	vld [tilespmem:s2+$0xFFFFFF70]  }
0x8c: {  	v8 =	vld [tilespmem:s2+$0x0]  }
0x8d: {  	v9 =	vld [tilespmem:s2+$0x10]  }
0x8e: {  	v10 =	vld [tilespmem:s2+$0x20]  }
0x8f: {  	v11 =	vld [tilespmem:s2+$0x30]  }
0x90: {  	v12 =	vld [tilespmem:s2+$0x40]  }
0x91: {  	v13 =	vld [tilespmem:s2+$0x50]  }
0x92: {  	v14 =	vld [tilespmem:s2+$0x60]  }
0x93: {  	v15 =	vld [tilespmem:s2+$0xFFFFFF00]  }
0x94: {  	v0 =	vld.idx.msk [tilespmem:v0+s5+$0x0], $0xffff  }
0x95: {  	v1 =	vld.idx.msk [tilespmem:v1+s5+$0x0], $0xffff  }
0x96: {  	v2 =	vld.idx.msk [tilespmem:v2+s5+$0x0], $0xffff  }
0x97: {  	v3 =	vld.idx.msk [tilespmem:v3+s5+$0x0], $0xffff  }
0x98: {  	v4 =	vld.idx.msk [tilespmem:v4+s5+$0x0], $0xffff  }
0x99: {  	s29 =	simm.s32 $0x1A880;
	v5 =	vld.idx.msk [tilespmem:v5+s5+$0x0], $0xffff  }
0x9a: {  	v6 =	vld.idx.msk [tilespmem:v6+s5+$0x0], $0xffff;
	[tilespmem:s29+$0x70] =	vst v0  }
0x9b: {  	v7 =	vld.idx.msk [tilespmem:v7+s5+$0x0], $0xffff;
	[tilespmem:s29+$0xFFFFFF10] =	vst v1  }
0x9c: {  	v15 =	vld.idx.msk [tilespmem:v15+s5+$0x0], $0xffff;
	[tilespmem:s29+$0xFFFFFF20] =	vst v2  }
0x9d: {  	v8 =	vld.idx.msk [tilespmem:v8+s5+$0x0], $0xffff;
	[tilespmem:s29+$0xFFFFFF30] =	vst v3  }
0x9e: {  	[tilespmem:s29+$0xFFFFFF40] =	vst v4;
	v0 =	vld.idx.msk [tilespmem:v9+s5+$0x0], $0xffff  }
0x9f: {  	[tilespmem:s29+$0xFFFFFF50] =	vst v5;
	v1 =	vld.idx.msk [tilespmem:v10+s5+$0x0], $0xffff  }
0xa0: {  	[tilespmem:s29+$0xFFFFFF60] =	vst v6;
	v2 =	vld.idx.msk [tilespmem:v11+s5+$0x0], $0xffff  }
0xa1: {  	[tilespmem:s29+$0xFFFFFF70] =	vst v7;
	v3 =	vld.idx.msk [tilespmem:v12+s5+$0x0], $0xffff  }
0xa2: {  	[tilespmem:s29+$0xFFFFFF00] =	vst v15;
	v4 =	vld.idx.msk [tilespmem:v13+s5+$0x0], $0xffff  }
0xa3: {  	s30 =	simm.s32 $0x0;
	s31 =	simm.s32 $0x18A80;
	[tilespmem:s29+$0x0] =	vst v8;
	v5 =	vld.idx.msk [tilespmem:v14+s5+$0x0], $0xffff  }
.LBB2_13:
0xa4: {  	v6 =	vld [tilespmem:s31+$0x70];
	s30 =	sadd.s32 $0x100, s30;
	[tilespmem:s29+$0x10] =	vst v0  }
0xa5: {  	v0 =	vld [tilespmem:s31+$0xFFFFFF10];
	p0 =	slt.u32 s30, $0xF00;
	[tilespmem:s29+$0x20] =	vst v1  }
0xa6: {  	v1 =	vld [tilespmem:s31+$0xFFFFFF20];
	[tilespmem:s29+$0x30] =	vst v2  }
0xa7: {  	v2 =	vld [tilespmem:s31+$0xFFFFFF30];
	[tilespmem:s29+$0x40] =	vst v3  }
0xa8: {  	v3 =	vld [tilespmem:s31+$0xFFFFFF40];
	[tilespmem:s29+$0x50] =	vst v4  }
0xa9: {  	v4 =	vld [tilespmem:s31+$0xFFFFFF50];
	[tilespmem:s29+$0x60] =	vst v5  }
0xaa: {  	v5 =	vld [tilespmem:s31+$0xFFFFFF60]  }
0xab: {  	v7 =	vld [tilespmem:s31+$0xFFFFFF70]  }
0xac: {  	v6 =	vld.idx.msk [tilespmem:v6+s5+$0x0], $0xffff  }
0xad: {  	v8 =	vld [tilespmem:s31+$0x0]  }
0xae: {  	v9 =	vld [tilespmem:s31+$0x10]  }
0xaf: {  	v10 =	vld [tilespmem:s31+$0x20]  }
0xb0: {  	v11 =	vld [tilespmem:s31+$0x30]  }
0xb1: {  	s29 =	sadd.s32 $0x200, s29;
	v12 =	vld [tilespmem:s31+$0x40]  }
0xb2: {  	v13 =	vld [tilespmem:s31+$0x50];
	[tilespmem:s29+$0x70] =	vst v6  }
0xb3: {  	v6 =	vld [tilespmem:s31+$0x60]  }
0xb4: {  	v14 =	vld [tilespmem:s31+$0xFFFFFF00]  }
0xb5: {  	v0 =	vld.idx.msk [tilespmem:v0+s5+$0x0], $0xffff  }
0xb6: {  	v1 =	vld.idx.msk [tilespmem:v1+s5+$0x0], $0xffff  }
0xb7: {  	v2 =	vld.idx.msk [tilespmem:v2+s5+$0x0], $0xffff  }
0xb8: {  	v3 =	vld.idx.msk [tilespmem:v3+s5+$0x0], $0xffff  }
0xb9: {  	v4 =	vld.idx.msk [tilespmem:v4+s5+$0x0], $0xffff  }
0xba: {  	v5 =	vld.idx.msk [tilespmem:v5+s5+$0x0], $0xffff  }
0xbb: {  	[tilespmem:s29+$0xFFFFFF10] =	vst v0;
	v7 =	vld.idx.msk [tilespmem:v7+s5+$0x0], $0xffff  }
0xbc: {  	v14 =	vld.idx.msk [tilespmem:v14+s5+$0x0], $0xffff;
	[tilespmem:s29+$0xFFFFFF20] =	vst v1  }
0xbd: {  	[tilespmem:s29+$0xFFFFFF30] =	vst v2;
	v8 =	vld.idx.msk [tilespmem:v8+s5+$0x0], $0xffff  }
0xbe: {  	[tilespmem:s29+$0xFFFFFF40] =	vst v3;
	v0 =	vld.idx.msk [tilespmem:v9+s5+$0x0], $0xffff  }
.Ltmp5:
0xbf: {  	[tilespmem:s29+$0xFFFFFF50] =	vst v4;
	v1 =	vld.idx.msk [tilespmem:v10+s5+$0x0], $0xffff;
	(pc) =	sbr.rel @p0 .LBB2_13-.Ltmp5, $4  }
0xc0: {  	[tilespmem:s29+$0xFFFFFF60] =	vst v5;
	v2 =	vld.idx.msk [tilespmem:v11+s5+$0x0], $0xffff  }
0xc1: {  	[tilespmem:s29+$0xFFFFFF70] =	vst v7;
	v3 =	vld.idx.msk [tilespmem:v12+s5+$0x0], $0xffff  }
0xc2: {  	[tilespmem:s29+$0xFFFFFF00] =	vst v14;
	v4 =	vld.idx.msk [tilespmem:v13+s5+$0x0], $0xffff  }
0xc3: {  	s31 =	sadd.s32 $0x200, s31;
	[tilespmem:s29+$0x0] =	vst v8;
	v5 =	vld.idx.msk [tilespmem:v6+s5+$0x0], $0xffff  }
0xc4: {  	[tilespmem:s29+$0x10] =	vst v0  }
0xc5: {  	[tilespmem:s29+$0x20] =	vst v1  }
0xc6: {  	[tilespmem:s29+$0x30] =	vst v2  }
0xc7: {  	[tilespmem:s29+$0x40] =	vst v3  }
0xc8: {  	s30 =	sadd.s32 s26, s12;
	s31 =	simm.s32 $0x1A780;
	[tilespmem:s29+$0x50] =	vst v4  }
0xc9: {  	s0 =	simm.s32 $0x1A880;
	s2 =	sadd.s32 $0x0, s30;
	[tilespmem:s29+$0x60] =	vst v5;
	s29 =	simm.s32 $0x80  }
.LBB2_15:
0xca: {  	[hbm4b:s2+s5] =	stream.linear.scatter [tilespmem:s31], [sflag:$0x5], $0x80, $0x38;
	[tilespmem:$0x1C700] =	vst v63  }
0xcb: {  	s2 =	smov.u32 s29;
	s31 =	smov.u32 s0;
	p0 =	sne.s32 s29, $0xF80  }
.Ltmp6:
0xcc: {  	s29 =	sadd.s32 $0x80, s29;
	(pc) =	sbr.rel @p0 .LBB2_15-.Ltmp6, $2  }
0xcd: {  	_ =	sdelay $0x2  }
0xce: {  	s0 =	sadd.s32 $0x100, s0;
	s2 =	sadd.s32 s2, s30  }
0xcf: {  	[hbm4b:s2+s5] =	stream.linear.scatter [tilespmem:s31], [sflag:$0x5], $0x80, $0x38;
	[tilespmem:$0x1C700] =	vst v63  }
0xd0: {  	s28 =	sadd.s32 s28, s13;
	_ =	swait.ge [sflag:s20], $0x1000  }
0xd1: {  	s29 =	simm.s32 $0x18780;
	s30 =	simm.s32 $0x80;
	[sflag:s20] =	ssyncset.done $0x0  }
0xd2: {  	s0 =	simm.s32 $0x18880;
	s2 =	sadd.s32 $0x0, s28;
	[sflag:s20] =	ssyncadd.s32 $0xFFFFF000  }
.LBB2_17:
0xd3: {  	[tilespmem:s29], [sflag:$0x3] =	stream.linear.gather [hbm4b:s2+s5], $0x80, $0x38;
	[tilespmem:$0x1C700] =	vst v63  }
0xd4: {  	s2 =	smov.u32 s30;
	s29 =	smov.u32 s0;
	p0 =	sne.s32 s30, $0xF80  }
.Ltmp7:
0xd5: {  	s30 =	sadd.s32 $0x80, s30;
	(pc) =	sbr.rel @p0 .LBB2_17-.Ltmp7, $2  }
0xd6: {  	_ =	sdelay $0x2  }
0xd7: {  	s0 =	sadd.s32 $0x100, s0;
	s2 =	sadd.s32 s2, s28  }
0xd8: {  	[tilespmem:s29], [sflag:$0x3] =	stream.linear.gather [hbm4b:s2+s5], $0x80, $0x38;
	[tilespmem:$0x1C700] =	vst v63  }
0xd9: {  	_ =	swait.ge [sflag:s22], $0x1000  }
0xda: {  	[sflag:s22] =	ssyncset.done $0x0  }
0xdb: {  	s0 =	simm.s32 $0x18800;
	[sflag:s22] =	ssyncadd.s32 $0xFFFFF000  }
0xdc: {  	v0 =	vld [tilespmem:s0+$0x70]  }
0xdd: {  	v1 =	vld [tilespmem:s0+$0xFFFFFF10]  }
0xde: {  	v2 =	vld [tilespmem:s0+$0xFFFFFF20]  }
0xdf: {  	v3 =	vld [tilespmem:s0+$0xFFFFFF30]  }
0xe0: {  	v4 =	vld [tilespmem:s0+$0xFFFFFF40]  }
0xe1: {  	v5 =	vld [tilespmem:s0+$0xFFFFFF50]  }
0xe2: {  	v6 =	vld [tilespmem:s0+$0xFFFFFF60]  }
0xe3: {  	v7 =	vld [tilespmem:s0+$0xFFFFFF70]  }
0xe4: {  	v8 =	vld [tilespmem:s0+$0x0]  }
0xe5: {  	v9 =	vld [tilespmem:s0+$0x10]  }
0xe6: {  	v10 =	vld [tilespmem:s0+$0x20]  }
0xe7: {  	v11 =	vld [tilespmem:s0+$0x30]  }
0xe8: {  	v12 =	vld [tilespmem:s0+$0x40]  }
0xe9: {  	v13 =	vld [tilespmem:s0+$0x50]  }
0xea: {  	v14 =	vld [tilespmem:s0+$0x60]  }
0xeb: {  	v15 =	vld [tilespmem:s0+$0xFFFFFF00]  }
0xec: {  	v0 =	vld.idx.msk [tilespmem:v0+s5+$0x0], $0xffff  }
0xed: {  	v1 =	vld.idx.msk [tilespmem:v1+s5+$0x0], $0xffff  }
0xee: {  	v2 =	vld.idx.msk [tilespmem:v2+s5+$0x0], $0xffff  }
0xef: {  	v3 =	vld.idx.msk [tilespmem:v3+s5+$0x0], $0xffff  }
0xf0: {  	v4 =	vld.idx.msk [tilespmem:v4+s5+$0x0], $0xffff  }
0xf1: {  	s28 =	simm.s32 $0x1A800;
	v5 =	vld.idx.msk [tilespmem:v5+s5+$0x0], $0xffff  }
0xf2: {  	v6 =	vld.idx.msk [tilespmem:v6+s5+$0x0], $0xffff;
	[tilespmem:s28+$0x70] =	vst v0  }
0xf3: {  	v7 =	vld.idx.msk [tilespmem:v7+s5+$0x0], $0xffff;
	[tilespmem:s28+$0xFFFFFF10] =	vst v1  }
0xf4: {  	v15 =	vld.idx.msk [tilespmem:v15+s5+$0x0], $0xffff;
	[tilespmem:s28+$0xFFFFFF20] =	vst v2  }
0xf5: {  	v8 =	vld.idx.msk [tilespmem:v8+s5+$0x0], $0xffff;
	[tilespmem:s28+$0xFFFFFF30] =	vst v3  }
0xf6: {  	[tilespmem:s28+$0xFFFFFF40] =	vst v4;
	v0 =	vld.idx.msk [tilespmem:v9+s5+$0x0], $0xffff  }
0xf7: {  	[tilespmem:s28+$0xFFFFFF50] =	vst v5;
	v1 =	vld.idx.msk [tilespmem:v10+s5+$0x0], $0xffff  }
0xf8: {  	[tilespmem:s28+$0xFFFFFF60] =	vst v6;
	v2 =	vld.idx.msk [tilespmem:v11+s5+$0x0], $0xffff  }
0xf9: {  	[tilespmem:s28+$0xFFFFFF70] =	vst v7;
	v3 =	vld.idx.msk [tilespmem:v12+s5+$0x0], $0xffff  }
0xfa: {  	[tilespmem:s28+$0xFFFFFF00] =	vst v15;
	v4 =	vld.idx.msk [tilespmem:v13+s5+$0x0], $0xffff  }
0xfb: {  	s29 =	simm.s32 $0x0;
	s30 =	simm.s32 $0x18A00;
	[tilespmem:s28+$0x0] =	vst v8;
	v5 =	vld.idx.msk [tilespmem:v14+s5+$0x0], $0xffff  }
.LBB2_19:
0xfc: {  	v6 =	vld [tilespmem:s30+$0x70];
	s29 =	sadd.s32 $0x100, s29;
	[tilespmem:s28+$0x10] =	vst v0  }
0xfd: {  	v0 =	vld [tilespmem:s30+$0xFFFFFF10];
	p0 =	slt.u32 s29, $0xF00;
	[tilespmem:s28+$0x20] =	vst v1  }
0xfe: {  	v1 =	vld [tilespmem:s30+$0xFFFFFF20];
	[tilespmem:s28+$0x30] =	vst v2  }
0xff: {  	v2 =	vld [tilespmem:s30+$0xFFFFFF30];
	[tilespmem:s28+$0x40] =	vst v3  }
0x100: {  	v3 =	vld [tilespmem:s30+$0xFFFFFF40];
	[tilespmem:s28+$0x50] =	vst v4  }
0x101: {  	v4 =	vld [tilespmem:s30+$0xFFFFFF50];
	[tilespmem:s28+$0x60] =	vst v5  }
0x102: {  	v5 =	vld [tilespmem:s30+$0xFFFFFF60]  }
0x103: {  	v7 =	vld [tilespmem:s30+$0xFFFFFF70]  }
0x104: {  	v6 =	vld.idx.msk [tilespmem:v6+s5+$0x0], $0xffff  }
0x105: {  	v8 =	vld [tilespmem:s30+$0x0]  }
0x106: {  	v9 =	vld [tilespmem:s30+$0x10]  }
0x107: {  	v10 =	vld [tilespmem:s30+$0x20]  }
0x108: {  	v11 =	vld [tilespmem:s30+$0x30]  }
0x109: {  	s28 =	sadd.s32 $0x200, s28;
	v12 =	vld [tilespmem:s30+$0x40]  }
0x10a: {  	v13 =	vld [tilespmem:s30+$0x50];
	[tilespmem:s28+$0x70] =	vst v6  }
0x10b: {  	v6 =	vld [tilespmem:s30+$0x60]  }
0x10c: {  	v14 =	vld [tilespmem:s30+$0xFFFFFF00]  }
0x10d: {  	v0 =	vld.idx.msk [tilespmem:v0+s5+$0x0], $0xffff  }
0x10e: {  	v1 =	vld.idx.msk [tilespmem:v1+s5+$0x0], $0xffff  }
0x10f: {  	v2 =	vld.idx.msk [tilespmem:v2+s5+$0x0], $0xffff  }
0x110: {  	v3 =	vld.idx.msk [tilespmem:v3+s5+$0x0], $0xffff  }
0x111: {  	v4 =	vld.idx.msk [tilespmem:v4+s5+$0x0], $0xffff  }
0x112: {  	v5 =	vld.idx.msk [tilespmem:v5+s5+$0x0], $0xffff  }
0x113: {  	[tilespmem:s28+$0xFFFFFF10] =	vst v0;
	v7 =	vld.idx.msk [tilespmem:v7+s5+$0x0], $0xffff  }
0x114: {  	v14 =	vld.idx.msk [tilespmem:v14+s5+$0x0], $0xffff;
	[tilespmem:s28+$0xFFFFFF20] =	vst v1  }
0x115: {  	[tilespmem:s28+$0xFFFFFF30] =	vst v2;
	v8 =	vld.idx.msk [tilespmem:v8+s5+$0x0], $0xffff  }
0x116: {  	[tilespmem:s28+$0xFFFFFF40] =	vst v3;
	v0 =	vld.idx.msk [tilespmem:v9+s5+$0x0], $0xffff  }
.Ltmp8:
0x117: {  	[tilespmem:s28+$0xFFFFFF50] =	vst v4;
	v1 =	vld.idx.msk [tilespmem:v10+s5+$0x0], $0xffff;
	(pc) =	sbr.rel @p0 .LBB2_19-.Ltmp8, $4  }
0x118: {  	[tilespmem:s28+$0xFFFFFF60] =	vst v5;
	v2 =	vld.idx.msk [tilespmem:v11+s5+$0x0], $0xffff  }
0x119: {  	[tilespmem:s28+$0xFFFFFF70] =	vst v7;
	v3 =	vld.idx.msk [tilespmem:v12+s5+$0x0], $0xffff  }
0x11a: {  	[tilespmem:s28+$0xFFFFFF00] =	vst v14;
	v4 =	vld.idx.msk [tilespmem:v13+s5+$0x0], $0xffff  }
0x11b: {  	s30 =	sadd.s32 $0x200, s30;
	[tilespmem:s28+$0x0] =	vst v8;
	v5 =	vld.idx.msk [tilespmem:v6+s5+$0x0], $0xffff  }
0x11c: {  	[tilespmem:s28+$0x10] =	vst v0  }
0x11d: {  	[tilespmem:s28+$0x20] =	vst v1  }
0x11e: {  	[tilespmem:s28+$0x30] =	vst v2  }
0x11f: {  	[tilespmem:s28+$0x40] =	vst v3  }
0x120: {  	s29 =	sadd.s32 s26, s14;
	s30 =	simm.s32 $0x1A700;
	[tilespmem:s28+$0x50] =	vst v4  }
0x121: {  	s0 =	simm.s32 $0x1A800;
	s2 =	sadd.s32 $0x0, s29;
	[tilespmem:s28+$0x60] =	vst v5;
	s28 =	simm.s32 $0x80  }
.LBB2_21:
0x122: {  	[hbm4b:s2+s5] =	stream.linear.scatter [tilespmem:s30], [sflag:$0x4], $0x80, $0x38;
	[tilespmem:$0x1C700] =	vst v63  }
0x123: {  	s2 =	smov.u32 s28;
	s30 =	smov.u32 s0;
	p0 =	sne.s32 s28, $0xF80  }
.Ltmp9:
0x124: {  	s28 =	sadd.s32 $0x80, s28;
	(pc) =	sbr.rel @p0 .LBB2_21-.Ltmp9, $2  }
0x125: {  	_ =	sdelay $0x2  }
0x126: {  	s0 =	sadd.s32 $0x100, s0;
	s2 =	sadd.s32 s2, s29  }
0x127: {  	p0 =	seq.s32 s25, $0x19  }
.Ltmp10:
0x128: {  	_ = 	snop;
	(pc) =	sbr.rel @p0 .LBB2_26-.Ltmp10, $4  }
0x129: {  	[hbm4b:s2+s5] =	stream.linear.scatter [tilespmem:s30], [sflag:$0x4], $0x80, $0x38;
	[tilespmem:$0x1C700] =	vst v63  }
0x12a: {  	_ =	swait.ge [sflag:s21], $0x1000  }
0x12b: {  	[sflag:s21] =	ssyncset.done $0x0  }
0x12c: {  	s25 =	sadd.s32 $0x1, s25;
	[sflag:s21] =	ssyncadd.s32 $0xFFFFF000  }
0x12d: {  	s0 =	sshll.u32 s25, $0x4  }
0x12e: {  	s2 =	sshll.u32 s25, $0xB;
	s0 =	sand.u32 $0x70, s0  }
0x12f: {  	s2 =	sand.u32 $0x1C000, s2;
	s0 =	sadd.s32 s1, s0  }
0x130: {  	s29 =	simm.s32 $0x18700;
	s28 =	sadd.s32 s2, s0  }
0x131: {  	s30 =	simm.s32 $0x80;
	s0 =	simm.s32 $0x18800;
	s2 =	sadd.s32 $0x0, s28  }
.LBB2_24:
0x132: {  	[tilespmem:s29], [sflag:$0x2] =	stream.linear.gather [hbm4b:s2+s5], $0x80, $0x38;
	[tilespmem:$0x1C700] =	vst v63  }
0x133: {  	s2 =	smov.u32 s30;
	s29 =	smov.u32 s0;
	p1 =	sne.s32 s30, $0xF80  }
.Ltmp11:
0x134: {  	s30 =	sadd.s32 $0x80, s30;
	(pc) =	sbr.rel @p1 .LBB2_24-.Ltmp11, $2  }
0x135: {  	_ =	sdelay $0x2  }
0x136: {  	s0 =	sadd.s32 $0x100, s0;
	s2 =	sadd.s32 s2, s28  }
0x137: {  	[tilespmem:s29], [sflag:$0x2] =	stream.linear.gather [hbm4b:s2+s5], $0x80, $0x38;
	[tilespmem:$0x1C700] =	vst v63  }
.LBB2_26:
0x138: {  	_ =	swait.ge [sflag:s23], $0x1000  }
0x139: {  	[sflag:s23] =	ssyncset.done $0x0  }
0x13a: {  	s0 =	simm.s32 $0x18880;
	[sflag:s23] =	ssyncadd.s32 $0xFFFFF000  }
0x13b: {  	v0 =	vld [tilespmem:s0+$0x70]  }
0x13c: {  	v1 =	vld [tilespmem:s0+$0xFFFFFF10]  }
0x13d: {  	v2 =	vld [tilespmem:s0+$0xFFFFFF20]  }
0x13e: {  	v3 =	vld [tilespmem:s0+$0xFFFFFF30]  }
0x13f: {  	v4 =	vld [tilespmem:s0+$0xFFFFFF40]  }
0x140: {  	v5 =	vld [tilespmem:s0+$0xFFFFFF50]  }
0x141: {  	v6 =	vld [tilespmem:s0+$0xFFFFFF60]  }
0x142: {  	v7 =	vld [tilespmem:s0+$0xFFFFFF70]  }
0x143: {  	v8 =	vld [tilespmem:s0+$0x0]  }
0x144: {  	v9 =	vld [tilespmem:s0+$0x10]  }
0x145: {  	v10 =	vld [tilespmem:s0+$0x20]  }
0x146: {  	v11 =	vld [tilespmem:s0+$0x30]  }
0x147: {  	v12 =	vld [tilespmem:s0+$0x40]  }
0x148: {  	v13 =	vld [tilespmem:s0+$0x50]  }
0x149: {  	v14 =	vld [tilespmem:s0+$0x60]  }
0x14a: {  	v15 =	vld [tilespmem:s0+$0xFFFFFF00]  }
0x14b: {  	v0 =	vld.idx.msk [tilespmem:v0+s5+$0x0], $0xffff  }
0x14c: {  	v1 =	vld.idx.msk [tilespmem:v1+s5+$0x0], $0xffff  }
0x14d: {  	v2 =	vld.idx.msk [tilespmem:v2+s5+$0x0], $0xffff  }
0x14e: {  	v3 =	vld.idx.msk [tilespmem:v3+s5+$0x0], $0xffff  }
0x14f: {  	v4 =	vld.idx.msk [tilespmem:v4+s5+$0x0], $0xffff  }
0x150: {  	s28 =	simm.s32 $0x1A880;
	v5 =	vld.idx.msk [tilespmem:v5+s5+$0x0], $0xffff  }
0x151: {  	v6 =	vld.idx.msk [tilespmem:v6+s5+$0x0], $0xffff;
	[tilespmem:s28+$0x70] =	vst v0  }
0x152: {  	v7 =	vld.idx.msk [tilespmem:v7+s5+$0x0], $0xffff;
	[tilespmem:s28+$0xFFFFFF10] =	vst v1  }
0x153: {  	v15 =	vld.idx.msk [tilespmem:v15+s5+$0x0], $0xffff;
	[tilespmem:s28+$0xFFFFFF20] =	vst v2  }
0x154: {  	v8 =	vld.idx.msk [tilespmem:v8+s5+$0x0], $0xffff;
	[tilespmem:s28+$0xFFFFFF30] =	vst v3  }
0x155: {  	[tilespmem:s28+$0xFFFFFF40] =	vst v4;
	v0 =	vld.idx.msk [tilespmem:v9+s5+$0x0], $0xffff  }
0x156: {  	[tilespmem:s28+$0xFFFFFF50] =	vst v5;
	v1 =	vld.idx.msk [tilespmem:v10+s5+$0x0], $0xffff  }
0x157: {  	[tilespmem:s28+$0xFFFFFF60] =	vst v6;
	v2 =	vld.idx.msk [tilespmem:v11+s5+$0x0], $0xffff  }
0x158: {  	[tilespmem:s28+$0xFFFFFF70] =	vst v7;
	v3 =	vld.idx.msk [tilespmem:v12+s5+$0x0], $0xffff  }
0x159: {  	[tilespmem:s28+$0xFFFFFF00] =	vst v15;
	v4 =	vld.idx.msk [tilespmem:v13+s5+$0x0], $0xffff  }
0x15a: {  	s29 =	simm.s32 $0x0;
	s30 =	simm.s32 $0x18A80;
	[tilespmem:s28+$0x0] =	vst v8;
	v5 =	vld.idx.msk [tilespmem:v14+s5+$0x0], $0xffff  }
.LBB2_27:
0x15b: {  	v6 =	vld [tilespmem:s30+$0x70];
	s29 =	sadd.s32 $0x100, s29;
	[tilespmem:s28+$0x10] =	vst v0  }
0x15c: {  	v0 =	vld [tilespmem:s30+$0xFFFFFF10];
	p1 =	slt.u32 s29, $0xF00;
	[tilespmem:s28+$0x20] =	vst v1  }
0x15d: {  	v1 =	vld [tilespmem:s30+$0xFFFFFF20];
	[tilespmem:s28+$0x30] =	vst v2  }
0x15e: {  	v2 =	vld [tilespmem:s30+$0xFFFFFF30];
	[tilespmem:s28+$0x40] =	vst v3  }
0x15f: {  	v3 =	vld [tilespmem:s30+$0xFFFFFF40];
	[tilespmem:s28+$0x50] =	vst v4  }
0x160: {  	v4 =	vld [tilespmem:s30+$0xFFFFFF50];
	[tilespmem:s28+$0x60] =	vst v5  }
0x161: {  	v5 =	vld [tilespmem:s30+$0xFFFFFF60]  }
0x162: {  	v7 =	vld [tilespmem:s30+$0xFFFFFF70]  }
0x163: {  	v6 =	vld.idx.msk [tilespmem:v6+s5+$0x0], $0xffff  }
0x164: {  	v8 =	vld [tilespmem:s30+$0x0]  }
0x165: {  	v9 =	vld [tilespmem:s30+$0x10]  }
0x166: {  	v10 =	vld [tilespmem:s30+$0x20]  }
0x167: {  	v11 =	vld [tilespmem:s30+$0x30]  }
0x168: {  	s28 =	sadd.s32 $0x200, s28;
	v12 =	vld [tilespmem:s30+$0x40]  }
0x169: {  	v13 =	vld [tilespmem:s30+$0x50];
	[tilespmem:s28+$0x70] =	vst v6  }
0x16a: {  	v6 =	vld [tilespmem:s30+$0x60]  }
0x16b: {  	v14 =	vld [tilespmem:s30+$0xFFFFFF00]  }
0x16c: {  	v0 =	vld.idx.msk [tilespmem:v0+s5+$0x0], $0xffff  }
0x16d: {  	v1 =	vld.idx.msk [tilespmem:v1+s5+$0x0], $0xffff  }
0x16e: {  	v2 =	vld.idx.msk [tilespmem:v2+s5+$0x0], $0xffff  }
0x16f: {  	v3 =	vld.idx.msk [tilespmem:v3+s5+$0x0], $0xffff  }
0x170: {  	v4 =	vld.idx.msk [tilespmem:v4+s5+$0x0], $0xffff  }
0x171: {  	v5 =	vld.idx.msk [tilespmem:v5+s5+$0x0], $0xffff  }
0x172: {  	[tilespmem:s28+$0xFFFFFF10] =	vst v0;
	v7 =	vld.idx.msk [tilespmem:v7+s5+$0x0], $0xffff  }
0x173: {  	v14 =	vld.idx.msk [tilespmem:v14+s5+$0x0], $0xffff;
	[tilespmem:s28+$0xFFFFFF20] =	vst v1  }
0x174: {  	[tilespmem:s28+$0xFFFFFF30] =	vst v2;
	v8 =	vld.idx.msk [tilespmem:v8+s5+$0x0], $0xffff  }
0x175: {  	[tilespmem:s28+$0xFFFFFF40] =	vst v3;
	v0 =	vld.idx.msk [tilespmem:v9+s5+$0x0], $0xffff  }
.Ltmp12:
0x176: {  	[tilespmem:s28+$0xFFFFFF50] =	vst v4;
	v1 =	vld.idx.msk [tilespmem:v10+s5+$0x0], $0xffff;
	(pc) =	sbr.rel @p1 .LBB2_27-.Ltmp12, $4  }
0x177: {  	[tilespmem:s28+$0xFFFFFF60] =	vst v5;
	v2 =	vld.idx.msk [tilespmem:v11+s5+$0x0], $0xffff  }
0x178: {  	[tilespmem:s28+$0xFFFFFF70] =	vst v7;
	v3 =	vld.idx.msk [tilespmem:v12+s5+$0x0], $0xffff  }
0x179: {  	[tilespmem:s28+$0xFFFFFF00] =	vst v14;
	v4 =	vld.idx.msk [tilespmem:v13+s5+$0x0], $0xffff  }
0x17a: {  	s30 =	sadd.s32 $0x200, s30;
	[tilespmem:s28+$0x0] =	vst v8;
	v5 =	vld.idx.msk [tilespmem:v6+s5+$0x0], $0xffff  }
0x17b: {  	[tilespmem:s28+$0x10] =	vst v0  }
0x17c: {  	[tilespmem:s28+$0x20] =	vst v1  }
0x17d: {  	[tilespmem:s28+$0x30] =	vst v2  }
0x17e: {  	[tilespmem:s28+$0x40] =	vst v3  }
0x17f: {  	s26 =	sadd.s32 s26, s15;
	s29 =	simm.s32 $0x1A780;
	[tilespmem:s28+$0x50] =	vst v4  }
0x180: {  	s0 =	simm.s32 $0x1A880;
	s30 =	sadd.s32 $0x0, s26;
	[tilespmem:s28+$0x60] =	vst v5;
	s28 =	simm.s32 $0x80  }
.LBB2_29:
0x181: {  	[hbm4b:s30+s5] =	stream.linear.scatter [tilespmem:s29], [sflag:$0x5], $0x80, $0x38;
	[tilespmem:$0x1C700] =	vst v63  }
0x182: {  	s2 =	smov.u32 s28;
	s29 =	smov.u32 s0;
	p1 =	sne.s32 s28, $0xF80  }
.Ltmp13:
0x183: {  	s28 =	sadd.s32 $0x80, s28;
	(pc) =	sbr.rel @p1 .LBB2_29-.Ltmp13, $2  }
0x184: {  	_ =	sdelay $0x2  }
0x185: {  	s0 =	sadd.s32 $0x100, s0;
	s30 =	sadd.s32 s2, s26  }
0x186: {  	s0 =	smul.u32 @!p0 $0x30E000, s25  }
0x187: {  	[hbm4b:s30+s5] =	stream.linear.scatter [tilespmem:s29], [sflag:$0x5], $0x80, $0x38;
	[tilespmem:$0x1C700] =	vst v63  }
0x188: {  	s0 =	sadd.s32 @!p0 s7, s0  }
0x189: {  	s2 =	simm.s32 @!p0 $0x80;
	s26 =	simm.s32 @!p0 $0x400;
	s0 =	sshrl.u32 @!p0 s0, $0x3  }
0x18a: {  	s28 =	simm.s32 @!p0 $0x0;
	p1 =	sne.s32 @!p0 s25, $0x1A;
	s0 =	sadd.s32 @!p0 s3, s0  }
0x18b: {  	[tilespmem:s28], [sflag:$0x1] =	stream.strided.gather @!p0 [hbm4b:s0+s2], $0x18700, s26, s2, $0x38;
	[tilespmem:$0x1C700] =	vst v63  }
0x18c: {  	p0 =	por p0, !p1  }
.Ltmp14:
0x18d: {  	_ = 	snop;
	(pc) =	sbr.rel @!p0 .LBB2_4-.Ltmp14, $1  }
0x18e: {  	_ =	sdelay $0x3  }
0x18f: {  	s24 =	sadd.s32 $0x1, s24  }
0x190: {  	_ =	swait.ge [sflag:s22], $0x1000;
	p0 =	sne.s32 s24, s16  }
.Ltmp15:
0x191: {  	[sflag:s22] =	ssyncset.done $0x0;
	(pc) =	sbr.rel @p0 .LBB2_1-.Ltmp15, $4  }
0x192: {  	[sflag:s22] =	ssyncadd.s32 $0xFFFFF000  }
0x193: {  	_ =	swait.ge [sflag:s23], $0x1000  }
0x194: {  	[sflag:s23] =	ssyncset.done $0x0  }
0x195: {  	[sflag:s23] =	ssyncadd.s32 $0xFFFFF000  }
0x196: {  	_ =	sfence.sel $0x180000  }
0x197: {  	[bflag:$0x0] =	sbarrier.arrive $0xFFFF  }
0x198: {  	_ =	strace $0x90000047  }
0x199: {  	s0 =	stileid.u32;
	[bflag:$0x2] =	sbarrier.arrive $0xFFFF  }
0x19a: {  	p0 =	sne.s32 s0, $0x0;
	s0 =	rddreg [dreg:$0x3]  }
0x19b: {  	s0 =	sadd.s32 @!p0 $0x100000, s0  }
0x19c: {  	[sflag:s0] =	ssyncadd.tile.s32 @!p0 $0x1;
	_ =	shalt  }
.Lfunc_end2:
_tile_overlayer_lowered:
.L_overlay_start_2:
0x19d: {  	(tag) =	ssettag $0x2  }
0x19e: {  	s0 =	rddreg [dreg:$0x0];
	s2 =	stileid.u32  }
0x19f: {  	s1 =	rddreg [dreg:$0x1];
	p0 =	sne.s32 s2, $0x0  }
0x1a0: {  	s3 =	rddreg [dreg:$0x2];
	[bflag:$0x3] =	sbarrier.arrive $0xFFFF;
	s2 =	simm.s32 @!p0 $0x1C06  }
0x1a1: {  	[timem:s3], [sflag:s2] =	dma.local @!p0 [hbm:s0], s1  }
0x1a2: {  	s0 =	simm.s32 @!p0 $0x6  }
0x1a3: {  	_ =	swait.ge @!p0 [sflag:s0], s1  }
0x1a4: {  	s1 =	ssub.s32 @!p0 $0x0, s1;
	[sflag:s0] =	ssyncset.done @!p0 $0x0  }
0x1a5: {  	[sflag:s0] =	ssyncadd.s32 @!p0 s1  }
0x1a6: {  	[bflag:$0x3] =	sbarrier.arrive $0xFFFF  }
0x1a7: {  	_ =	shalt  }

</sc_bundles>
